<compile_context>
chip_gen: v7x
topology: tpu7x:2x2x1
jax: 0.10.2.dev20260603
libtpu: 0.0.44.dev20260713+nightly
codegen_flags: <defaults>
</compile_context>

<pallas_src>
import jax
import jax.numpy as jnp
from jax import lax
from jax.experimental import pallas as pl
from jax.experimental.pallas import tpu as pltpu
from jax.experimental.pallas import tpu_sc as plsc
from jax.scipy.linalg import block_diag

B, T, N, C, H, E = 8, 8, 1000, 64, 64, 16000
NG = B * T
GP = 4
W4 = GP * H
NROW = 1024
NSUB = 16
FLAT_N = NROW * NROW
CH = 4096
NCH = FLAT_N // (NSUB * CH)
EPAD = 16384
EROWS = EPAD // 128
ROWS_PER_SUB = EROWS // NSUB
SENT = 1000 * NROW


def _sc_build_counts(idx_hbm, out_hbm, idx_v, ones_v, zbuf, shared):
    c = lax.axis_index("c")
    s = lax.axis_index("s")
    off = s * (NCH * CH)

    @pl.when(c == 0)
    def _prep():
        def fz(i, _):
            zbuf[pl.ds(i * 16, 16)] = jnp.zeros((16,), jnp.float32)
            return _
        lax.fori_loop(0, CH // 16, fz, None)
        for k in range(8):
            ones_v[pl.ds(k * 16, 16)] = jnp.full((16,), 1.0, jnp.float32)

        def zc(i, _):
            pltpu.sync_copy(zbuf, shared.at[pl.ds(off + i * CH, CH)])
            return _
        lax.fori_loop(0, NCH, zc, None)
        pltpu.sync_copy(idx_hbm.at[pl.ds(s * ROWS_PER_SUB, ROWS_PER_SUB)],
                        idx_v)

    plsc.subcore_barrier()

    @pl.when(c == 0)
    def _scatter():
        for j in range(ROWS_PER_SUB):
            pltpu.sync_copy(ones_v, shared.at[idx_v.at[j]], add=True)

    plsc.subcore_barrier()

    @pl.when(c == 0)
    def _writeback():
        def wb(i, _):
            pltpu.sync_copy(shared.at[pl.ds(off + i * CH, CH)], zbuf)
            pltpu.sync_copy(zbuf, out_hbm.at[pl.ds(off + i * CH, CH)])
            return _
        lax.fori_loop(0, NCH, wb, None)


def _build_counts(flat_idx):
    mesh = plsc.VectorSubcoreMesh(core_axis_name="c", subcore_axis_name="s")
    return pl.kernel(
        _sc_build_counts,
        out_type=jax.ShapeDtypeStruct((FLAT_N,), jnp.float32),
        mesh=mesh,
        scratch_types=[
            pltpu.VMEM((ROWS_PER_SUB, 128), jnp.int32),
            pltpu.VMEM((128,), jnp.float32),
            pltpu.VMEM((CH,), jnp.float32),
            pltpu.VMEM_SHARED((FLAT_N,), jnp.float32),
        ],
    )(flat_idx)


def _tc_forward(acnt_ref, x_ref, ws_in, b_in, g_in, bb_in, w_h0, b_h0, g_h0,
                bb_h0, w_h1, b_h1, g_h1, bb_h1, w_c1, b_c1, w_c2, b_c2,
                m4_ref, fold_ref, out_ref, a_scr, dinv_ref, acc_ref):
    g4 = pl.program_id(0)

    @pl.when(g4 == 0)
    def _init():
        row_i = lax.broadcasted_iota(jnp.int32, (NROW, 128), 0)
        col_i = lax.broadcasted_iota(jnp.int32, (NROW, 128), 1)
        for j in range(NROW // 128):
            eye_j = (row_i == col_i + j * 128).astype(jnp.float32)
            a_scr[:, pl.ds(j * 128, 128)] = acnt_ref[:, j, :] + eye_j
        deg = jnp.sum(a_scr[...], axis=1, keepdims=True)
        dinv_ref[...] = lax.rsqrt(jnp.maximum(deg, 1.0))
        acc_ref[...] = jnp.zeros_like(acc_ref)

    a = a_scr[...]
    dinv = dinv_ref[...]
    m4 = m4_ref[...]

    def conv(h_in, w, b):
        h = jnp.dot(h_in, w[...], preferred_element_type=jnp.float32)
        agg = jnp.dot(a, h * dinv, preferred_element_type=jnp.float32)
        return dinv * agg + b[...]

    def lnorm(z, gg, bb):
        m = jnp.dot(z, m4, preferred_element_type=jnp.float32)
        zc = z - m
        v = jnp.dot(zc * zc, m4, preferred_element_type=jnp.float32)
        return zc * lax.rsqrt(v + 1e-5) * gg[...] + bb[...]

    tn = (((0,), (0,)), ((), ()))
    h0 = lax.dot_general(x_ref[0], ws_in[0], tn,
                         preferred_element_type=jnp.float32)
    for g in range(1, GP):
        h0 = h0 + lax.dot_general(x_ref[g], ws_in[g], tn,
                                  preferred_element_type=jnp.float32)
    h0 = jnp.concatenate(
        [h0, jnp.zeros((NROW - N, W4), jnp.float32)], axis=0)
    z0 = dinv * jnp.dot(a, h0 * dinv,
                        preferred_element_type=jnp.float32) + b_in[...]
    out = jax.nn.relu(lnorm(z0, g_in, bb_in))
    out = jax.nn.relu(lnorm(conv(out, w_h0, b_h0), g_h0, bb_h0)) + out
    out = jax.nn.relu(lnorm(conv(out, w_h1, b_h1), g_h1, bb_h1)) + out

    pooled_row = jnp.sum(out[:N], axis=0, keepdims=True) * (1.0 / (N * T))
    b_idx = g4 // (T // GP)
    acc_ref[pl.ds(b_idx, 1), :] += pooled_row

    @pl.when(g4 == NG // GP - 1)
    def _head():
        pooled = jnp.dot(acc_ref[...], fold_ref[...],
                         preferred_element_type=jnp.float32)
        hh = jax.nn.relu(
            jnp.dot(pooled, w_c1[...],
                    preferred_element_type=jnp.float32) + b_c1[...])
        out_ref[...] = (jnp.dot(hh, w_c2[...],
                                preferred_element_type=jnp.float32)
                        + b_c2[...])


def _forward(acnt_pad, xcols, W_in, b_in, ln_in_g, ln_in_b, W_h0, b_h0,
             ln_h0_g, ln_h0_b, W_h1, b_h1, ln_h1_g, ln_h1_b,
             W_c1, b_c1, W_c2, b_c2):
    full = lambda shape: pl.BlockSpec(shape, lambda g: (0,) * len(shape))
    bd4 = lambda w: block_diag(w, w, w, w)
    row4 = lambda v: jnp.tile(v, GP).reshape(1, W4)
    m4 = block_diag(*([jnp.full((H, H), 1.0 / H, jnp.float32)] * GP))
    fold = jnp.tile(jnp.eye(H, dtype=jnp.float32), (GP, 1))
    ws_in = bd4(W_in).reshape(GP, C, W4)
    return pl.pallas_call(
        _tc_forward,
        grid=(NG // GP,),
        in_specs=[
            full((NROW, NROW // 128, 128)),
            pl.BlockSpec((GP, C, N), lambda g: (g, 0, 0)),
            full((GP, C, W4)), full((1, W4)), full((1, W4)), full((1, W4)),
            full((W4, W4)), full((1, W4)), full((1, W4)), full((1, W4)),
            full((W4, W4)), full((1, W4)), full((1, W4)), full((1, W4)),
            full((H, H)), full((1, H)), full((H, 2)), full((1, 2)),
            full((W4, W4)), full((W4, H)),
        ],
        out_specs=full((B, 2)),
        out_shape=jax.ShapeDtypeStruct((B, 2), jnp.float32),
        scratch_shapes=[
            pltpu.VMEM((NROW, NROW), jnp.float32),
            pltpu.VMEM((NROW, 1), jnp.float32),
            pltpu.VMEM((B, W4), jnp.float32),
        ],
    )(acnt_pad, xcols, ws_in, row4(b_in), row4(ln_in_g), row4(ln_in_b),
      bd4(W_h0), row4(b_h0), row4(ln_h0_g), row4(ln_h0_b),
      bd4(W_h1), row4(b_h1), row4(ln_h1_g), row4(ln_h1_b),
      W_c1, b_c1.reshape(1, H), W_c2, b_c2.reshape(1, 2), m4, fold)


def kernel(x, base_adj, base_edge_index, W_in, b_in, ln_in_g, ln_in_b,
           W_h0, b_h0, ln_h0_g, ln_h0_b, W_h1, b_h1, ln_h1_g, ln_h1_b,
           W_c1, b_c1, W_c2, b_c2):
    src = base_edge_index[0]
    dst = base_edge_index[1]
    flat = dst * NROW + src
    flat = jnp.concatenate(
        [flat, jnp.full((EPAD - E,), SENT, jnp.int32)]).reshape(EROWS, 128)
    counts = _build_counts(flat)
    acnt_pad = counts.reshape(NROW, NROW // 128, 128)
    xcols = x.transpose(0, 1, 3, 2).reshape(NG, C, N)
    return _forward(acnt_pad, xcols, W_in, b_in, ln_in_g, ln_in_b, W_h0, b_h0,
                    ln_h0_g, ln_h0_b, W_h1, b_h1, ln_h1_g, ln_h1_b,
                    W_c1, b_c1, W_c2, b_c2)

# --- scband reference (transcript-rebuilt; emitter-appended) ---
"""Pipeline reference for scband-graph-sequence-classifier-13219909337663 (READ-ONLY COPY).

The authoritative reference and input builder live on the scoring server;
editing this copy changes nothing except your own understanding.
"""

import jax, jax.numpy as jnp
import numpy as np

B, T, N, C, H, E = 8, 8, 1000, 64, 64, 16000


def layer_norm(x, g, b):
    m = jnp.mean(x, axis=-1, keepdims=True)
    v = jnp.mean((x - m) ** 2, axis=-1, keepdims=True)
    return (x - m) / jnp.sqrt(v + 1e-5) * g + b


def gcn_conv(x, src, dst, W, b, n):
    # PyG GCNConv semantics: self-loops already appended to (src, dst);
    # symmetric normalization D^-1/2 (A+I) D^-1/2, then linear + bias.
    deg = jnp.zeros((n,), x.dtype).at[dst].add(1.0)
    dinv = jnp.where(deg > 0, jax.lax.rsqrt(jnp.maximum(deg, 1e-12)), 0.0)
    norm = dinv[src] * dinv[dst]
    h = x @ W
    msg = h[src] * norm[:, None]
    out = jnp.zeros((n, W.shape[1]), x.dtype).at[dst].add(msg)
    return out + b


def setup_inputs(seed: int = 0) -> dict:
    key = jax.random.key(seed)
    ks = jax.random.split(key, 24)
    inp = {}
    inp["x"] = jax.random.normal(ks[0], (B, T, N, C), dtype=jnp.float32)
    inp["base_adj"] = jax.random.uniform(ks[1], (N, N), dtype=jnp.float32)
    inp["base_edge_index"] = jax.random.randint(ks[2], (2, E), 0, N, dtype=jnp.int32)
    s_in = 1.0 / np.sqrt(C)
    s_h = 1.0 / np.sqrt(H)
    inp["W_in"] = jax.random.normal(ks[3], (C, H), dtype=jnp.float32) * s_in
    inp["b_in"] = jnp.zeros((H,), jnp.float32)
    inp["ln_in_g"] = jnp.ones((H,), jnp.float32)
    inp["ln_in_b"] = jnp.zeros((H,), jnp.float32)
    inp["W_h0"] = jax.random.normal(ks[4], (H, H), dtype=jnp.float32) * s_h
    inp["b_h0"] = jnp.zeros((H,), jnp.float32)
    inp["ln_h0_g"] = jnp.ones((H,), jnp.float32)
    inp["ln_h0_b"] = jnp.zeros((H,), jnp.float32)
    inp["W_h1"] = jax.random.normal(ks[5], (H, H), dtype=jnp.float32) * s_h
    inp["b_h1"] = jnp.zeros((H,), jnp.float32)
    inp["ln_h1_g"] = jnp.ones((H,), jnp.float32)
    inp["ln_h1_b"] = jnp.zeros((H,), jnp.float32)
    inp["W_c1"] = jax.random.normal(ks[6], (H, H), dtype=jnp.float32) * s_h
    inp["b_c1"] = jnp.zeros((H,), jnp.float32)
    inp["W_c2"] = jax.random.normal(ks[7], (H, 2), dtype=jnp.float32) * s_h
    inp["b_c2"] = jnp.zeros((2,), jnp.float32)
    return inp


def reference(x, base_adj, base_edge_index, W_in, b_in, ln_in_g, ln_in_b,
              W_h0, b_h0, ln_h0_g, ln_h0_b, W_h1, b_h1, ln_h1_g, ln_h1_b,
              W_c1, b_c1, W_c2, b_c2):
    ng = B * T
    nt = ng * N
    flat = x.reshape(nt, C)
    # build_batched_edge_index
    off = jnp.repeat(jnp.arange(ng, dtype=jnp.int32), E) * N
    src = jnp.tile(base_edge_index[0], ng) + off
    dst = jnp.tile(base_edge_index[1], ng) + off
    loop = jnp.arange(nt, dtype=jnp.int32)
    src = jnp.concatenate([src, loop])
    dst = jnp.concatenate([dst, loop])
    # input conv (dropout is identity at eval)
    out = gcn_conv(flat, src, dst, W_in, b_in, nt)
    out = layer_norm(out, ln_in_g, ln_in_b)
    out = jax.nn.relu(out)
    # hidden convs with residual
    for (W, b, g, bb) in [(W_h0, b_h0, ln_h0_g, ln_h0_b), (W_h1, b_h1, ln_h1_g, ln_h1_b)]:
        res = out
        o = gcn_conv(out, src, dst, W, b, nt)
        o = layer_norm(o, g, bb)
        o = jax.nn.relu(o)
        out = o + res
    # encode_sequence: mean over nodes
    seq = out.reshape(B, T, N, H).mean(axis=2)
    # pool_sequence: temporal mean
    pooled = seq.mean(axis=1)
    h = jax.nn.relu(pooled @ W_c1 + b_c1)
    logits = h @ W_c2 + b_c2
    return logits

if __name__ == "__main__":
    import jax
    _d = setup_inputs()
    print(jax.jit(kernel)(*tuple(_d.values())))

</pallas_src>

<mosaic_0001>
#map = affine_map<(d0, d1) -> (0, 0)>
#map1 = affine_map<(d0, d1) -> (0)>
module attributes {stable_mosaic.version = 14 : i64} {
  func.func @_sc_build_counts(%arg0: i32, %arg1: i32, %arg2: memref<128x128xi32, #tpu.memory_space<hbm>>, %arg3: memref<1048576xf32, #tpu.memory_space<hbm>>, %arg4: memref<8x128xi32, #tpu.memory_space<vmem>>, %arg5: memref<128xf32, #tpu.memory_space<vmem>>, %arg6: memref<4096xf32, #tpu.memory_space<vmem>>, %arg7: memref<1048576xf32, #tpu.memory_space<vmem_shared>>) attributes {dimension_semantics = [#tpu.dimension_semantics<core_parallel>, #tpu.dimension_semantics<subcore_parallel>], iteration_bounds = array<i64: 2, 16>, scalar_prefetch = 0 : i64, scratch_operands = 4 : i64, tpu.core_type = #tpu.core_type<sc_vector_subcore>, window_params = [{transform_indices = #map}, {transform_indices = #map1}]} {
    %mul3A = arith.constant 65536 : i32
    %mul3A_0 = arith.muli %arg1, %mul3A : i32
    %eq3A = arith.constant 0 : i32
    %eq3A_1 = arith.cmpi eq, %arg0, %eq3A : i32
    %convert_element_type3A = arith.extui %eq3A_1 : i1 to i32
    %cond3A = arith.constant 0 : i32
    %cond3A_2 = arith.cmpi ne, %convert_element_type3A, %cond3A : i32
    scf.if %cond3A_2 {
      %scan3A = arith.constant 0 : i32
      %scan3A_14 = arith.constant 256 : i32
      %scan3A_15 = arith.addi %scan3A, %scan3A_14 : i32
      %scan3A_16 = arith.constant 1 : i32
      scf.for %scan3A_71 = %scan3A to %scan3A_15 step %scan3A_16  : i32 {
        %broadcast_in_dim3A_72 = arith.constant 0.000000e+00 : f32
        %broadcast_in_dim3A_73 = vector.broadcast %broadcast_in_dim3A_72 : f32 to vector<16xf32>
        %mul3A_74 = arith.constant 16 : i32
        %mul3A_75 = arith.muli %scan3A_71, %mul3A_74 : i32
        %swap3A_76 = arith.index_cast %mul3A_75 : i32 to index
        %swap3A_77 = tpu.vector_load %arg6[%swap3A_76] {strides = array<i32>} : memref<4096xf32, #tpu.memory_space<vmem>>, vector<16xf32>,
        %swap3A_78 = vector.shape_cast %swap3A_77 : vector<16xf32> to vector<16xf32>
        %swap3A_79 = vector.shape_cast %broadcast_in_dim3A_73 : vector<16xf32> to vector<16xf32>
        tpu.vector_store %arg6[%swap3A_76], %swap3A_79 {strides = array<i32>} : memref<4096xf32, #tpu.memory_space<vmem>>, vector<16xf32>,
      }
      %scan3A_17 = arith.constant 256 : i32
      %broadcast_in_dim3A = arith.constant 1.000000e+00 : f32
      %broadcast_in_dim3A_18 = vector.broadcast %broadcast_in_dim3A : f32 to vector<16xf32>
      %swap3A = arith.constant 0 : index
      %swap3A_19 = tpu.vector_load %arg5[%swap3A] {strides = array<i32>} : memref<128xf32, #tpu.memory_space<vmem>>, vector<16xf32>,
      %swap3A_20 = vector.shape_cast %swap3A_19 : vector<16xf32> to vector<16xf32>
      %swap3A_21 = vector.shape_cast %broadcast_in_dim3A_18 : vector<16xf32> to vector<16xf32>
      tpu.vector_store %arg5[%swap3A], %swap3A_21 {strides = array<i32>} : memref<128xf32, #tpu.memory_space<vmem>>, vector<16xf32>,
      %broadcast_in_dim3A_22 = arith.constant 1.000000e+00 : f32
      %broadcast_in_dim3A_23 = vector.broadcast %broadcast_in_dim3A_22 : f32 to vector<16xf32>
      %swap3A_24 = arith.constant 16 : index
      %swap3A_25 = tpu.vector_load %arg5[%swap3A_24] {strides = array<i32>} : memref<128xf32, #tpu.memory_space<vmem>>, vector<16xf32>,
      %swap3A_26 = vector.shape_cast %swap3A_25 : vector<16xf32> to vector<16xf32>
      %swap3A_27 = vector.shape_cast %broadcast_in_dim3A_23 : vector<16xf32> to vector<16xf32>
      tpu.vector_store %arg5[%swap3A_24], %swap3A_27 {strides = array<i32>} : memref<128xf32, #tpu.memory_space<vmem>>, vector<16xf32>,
      %broadcast_in_dim3A_28 = arith.constant 1.000000e+00 : f32
      %broadcast_in_dim3A_29 = vector.broadcast %broadcast_in_dim3A_28 : f32 to vector<16xf32>
      %swap3A_30 = arith.constant 32 : index
      %swap3A_31 = tpu.vector_load %arg5[%swap3A_30] {strides = array<i32>} : memref<128xf32, #tpu.memory_space<vmem>>, vector<16xf32>,
      %swap3A_32 = vector.shape_cast %swap3A_31 : vector<16xf32> to vector<16xf32>
      %swap3A_33 = vector.shape_cast %broadcast_in_dim3A_29 : vector<16xf32> to vector<16xf32>
      tpu.vector_store %arg5[%swap3A_30], %swap3A_33 {strides = array<i32>} : memref<128xf32, #tpu.memory_space<vmem>>, vector<16xf32>,
      %broadcast_in_dim3A_34 = arith.constant 1.000000e+00 : f32
      %broadcast_in_dim3A_35 = vector.broadcast %broadcast_in_dim3A_34 : f32 to vector<16xf32>
      %swap3A_36 = arith.constant 48 : index
      %swap3A_37 = tpu.vector_load %arg5[%swap3A_36] {strides = array<i32>} : memref<128xf32, #tpu.memory_space<vmem>>, vector<16xf32>,
      %swap3A_38 = vector.shape_cast %swap3A_37 : vector<16xf32> to vector<16xf32>
      %swap3A_39 = vector.shape_cast %broadcast_in_dim3A_35 : vector<16xf32> to vector<16xf32>
      tpu.vector_store %arg5[%swap3A_36], %swap3A_39 {strides = array<i32>} : memref<128xf32, #tpu.memory_space<vmem>>, vector<16xf32>,
      %broadcast_in_dim3A_40 = arith.constant 1.000000e+00 : f32
      %broadcast_in_dim3A_41 = vector.broadcast %broadcast_in_dim3A_40 : f32 to vector<16xf32>
      %swap3A_42 = arith.constant 64 : index
      %swap3A_43 = tpu.vector_load %arg5[%swap3A_42] {strides = array<i32>} : memref<128xf32, #tpu.memory_space<vmem>>, vector<16xf32>,
      %swap3A_44 = vector.shape_cast %swap3A_43 : vector<16xf32> to vector<16xf32>
      %swap3A_45 = vector.shape_cast %broadcast_in_dim3A_41 : vector<16xf32> to vector<16xf32>
      tpu.vector_store %arg5[%swap3A_42], %swap3A_45 {strides = array<i32>} : memref<128xf32, #tpu.memory_space<vmem>>, vector<16xf32>,
      %broadcast_in_dim3A_46 = arith.constant 1.000000e+00 : f32
      %broadcast_in_dim3A_47 = vector.broadcast %broadcast_in_dim3A_46 : f32 to vector<16xf32>
      %swap3A_48 = arith.constant 80 : index
      %swap3A_49 = tpu.vector_load %arg5[%swap3A_48] {strides = array<i32>} : memref<128xf32, #tpu.memory_space<vmem>>, vector<16xf32>,
      %swap3A_50 = vector.shape_cast %swap3A_49 : vector<16xf32> to vector<16xf32>
      %swap3A_51 = vector.shape_cast %broadcast_in_dim3A_47 : vector<16xf32> to vector<16xf32>
      tpu.vector_store %arg5[%swap3A_48], %swap3A_51 {strides = array<i32>} : memref<128xf32, #tpu.memory_space<vmem>>, vector<16xf32>,
      %broadcast_in_dim3A_52 = arith.constant 1.000000e+00 : f32
      %broadcast_in_dim3A_53 = vector.broadcast %broadcast_in_dim3A_52 : f32 to vector<16xf32>
      %swap3A_54 = arith.constant 96 : index
      %swap3A_55 = tpu.vector_load %arg5[%swap3A_54] {strides = array<i32>} : memref<128xf32, #tpu.memory_space<vmem>>, vector<16xf32>,
      %swap3A_56 = vector.shape_cast %swap3A_55 : vector<16xf32> to vector<16xf32>
      %swap3A_57 = vector.shape_cast %broadcast_in_dim3A_53 : vector<16xf32> to vector<16xf32>
      tpu.vector_store %arg5[%swap3A_54], %swap3A_57 {strides = array<i32>} : memref<128xf32, #tpu.memory_space<vmem>>, vector<16xf32>,
      %broadcast_in_dim3A_58 = arith.constant 1.000000e+00 : f32
      %broadcast_in_dim3A_59 = vector.broadcast %broadcast_in_dim3A_58 : f32 to vector<16xf32>
      %swap3A_60 = arith.constant 112 : index
      %swap3A_61 = tpu.vector_load %arg5[%swap3A_60] {strides = array<i32>} : memref<128xf32, #tpu.memory_space<vmem>>, vector<16xf32>,
      %swap3A_62 = vector.shape_cast %swap3A_61 : vector<16xf32> to vector<16xf32>
      %swap3A_63 = vector.shape_cast %broadcast_in_dim3A_59 : vector<16xf32> to vector<16xf32>
      tpu.vector_store %arg5[%swap3A_60], %swap3A_63 {strides = array<i32>} : memref<128xf32, #tpu.memory_space<vmem>>, vector<16xf32>,
      %scan3A_64 = arith.constant 0 : i32
      %scan3A_65 = arith.constant 16 : i32
      %scan3A_66 = arith.addi %scan3A_64, %scan3A_65 : i32
      %scan3A_67 = arith.constant 1 : i32
      scf.for %scan3A_71 = %scan3A_64 to %scan3A_66 step %scan3A_67  : i32 {
        %mul3A_72 = arith.constant 4096 : i32
        %mul3A_73 = arith.muli %scan3A_71, %mul3A_72 : i32
        %add3A = arith.addi %mul3A_0, %mul3A_73 : i32
        "tpu.region"() ({
          %run_scoped3A = tpu.sem_alloc : memref<!tpu.dma_semaphore, #tpu.memory_space<semaphore_mem>>
          %dma_start3A = tpu.memref_slice %arg7[%add3A] : memref<1048576xf32, #tpu.memory_space<vmem_shared>> -> memref<4096xf32, #tpu.memory_space<vmem_shared>>
          %dma_start3A_74 = tpu.memref_slice %arg7[%add3A] : memref<1048576xf32, #tpu.memory_space<vmem_shared>> -> memref<4096xf32, #tpu.memory_space<vmem_shared>>
          tpu.enqueue_dma source(%arg6 : memref<4096xf32, #tpu.memory_space<vmem>>) target(%dma_start3A_74 : memref<4096xf32, #tpu.memory_space<vmem_shared>>) target_semaphore(%run_scoped3A : memref<!tpu.dma_semaphore, #tpu.memory_space<semaphore_mem>>)
          %dma_wait3A = tpu.memref_slice %arg7[%add3A] : memref<1048576xf32, #tpu.memory_space<vmem_shared>> -> memref<4096xf32, #tpu.memory_space<vmem_shared>>
          %dma_wait3A_75 = tpu.memref_slice %arg7[%add3A] : memref<1048576xf32, #tpu.memory_space<vmem_shared>> -> memref<4096xf32, #tpu.memory_space<vmem_shared>>
          tpu.wait_dma2 semaphore(%run_scoped3A : memref<!tpu.dma_semaphore, #tpu.memory_space<semaphore_mem>>) src(%arg6 : memref<4096xf32, #tpu.memory_space<vmem>>) dst(%dma_wait3A_75 : memref<4096xf32, #tpu.memory_space<vmem_shared>>)
          tpu.yield
        }) : () -> ()
      }
      %scan3A_68 = arith.constant 16 : i32
      %mul3A_69 = arith.constant 8 : i32
      %mul3A_70 = arith.muli %arg1, %mul3A_69 : i32
      "tpu.region"() ({
        %run_scoped3A = tpu.sem_alloc : memref<!tpu.dma_semaphore, #tpu.memory_space<semaphore_mem>>
        %dma_start3A = arith.constant 0 : i32
        %dma_start3A_71 = tpu.memref_slice %arg2[%mul3A_70, %dma_start3A] : memref<128x128xi32, #tpu.memory_space<hbm>> -> memref<8x128xi32, #tpu.memory_space<hbm>>
        %dma_start3A_72 = arith.constant 0 : i32
        %dma_start3A_73 = tpu.memref_slice %arg2[%mul3A_70, %dma_start3A_72] : memref<128x128xi32, #tpu.memory_space<hbm>> -> memref<8x128xi32, #tpu.memory_space<hbm>>
        tpu.enqueue_dma source(%dma_start3A_73 : memref<8x128xi32, #tpu.memory_space<hbm>>) target(%arg4 : memref<8x128xi32, #tpu.memory_space<vmem>>) target_semaphore(%run_scoped3A : memref<!tpu.dma_semaphore, #tpu.memory_space<semaphore_mem>>)
        %dma_wait3A = arith.constant 0 : i32
        %dma_wait3A_74 = tpu.memref_slice %arg2[%mul3A_70, %dma_wait3A] : memref<128x128xi32, #tpu.memory_space<hbm>> -> memref<8x128xi32, #tpu.memory_space<hbm>>
        %dma_wait3A_75 = arith.constant 0 : i32
        %dma_wait3A_76 = tpu.memref_slice %arg2[%mul3A_70, %dma_wait3A_75] : memref<128x128xi32, #tpu.memory_space<hbm>> -> memref<8x128xi32, #tpu.memory_space<hbm>>
        tpu.wait_dma2 semaphore(%run_scoped3A : memref<!tpu.dma_semaphore, #tpu.memory_space<semaphore_mem>>) src(%dma_wait3A_76 : memref<8x128xi32, #tpu.memory_space<hbm>>) dst(%arg4 : memref<8x128xi32, #tpu.memory_space<vmem>>)
        tpu.yield
      }) : () -> ()
    } else {
    }
    %barrier3A = arith.constant 0 : index
    tpu.barrier barrier_id(%barrier3A)
    %eq3A_3 = arith.constant 0 : i32
    %eq3A_4 = arith.cmpi eq, %arg0, %eq3A_3 : i32
    %convert_element_type3A_5 = arith.extui %eq3A_4 : i1 to i32
    %cond3A_6 = arith.constant 0 : i32
    %cond3A_7 = arith.cmpi ne, %convert_element_type3A_5, %cond3A_6 : i32
    scf.if %cond3A_7 {
      %run_scoped3A = arith.constant 0 : i32
      "tpu.region"() ({
        %run_scoped3A_21 = tpu.sem_alloc : memref<!tpu.dma_semaphore, #tpu.memory_space<semaphore_mem>>
        %dma_start3A = arith.constant 0 : i32
        %dma_start3A_22 = tpu.memref_slice %arg4[%run_scoped3A, %dma_start3A] : memref<8x128xi32, #tpu.memory_space<vmem>> -> memref<1x128xi32, #tpu.memory_space<vmem>>
        %dma_start3A_23 = tpu.memref_squeeze %dma_start3A_22 : memref<1x128xi32, #tpu.memory_space<vmem>> -> memref<128xi32, #tpu.memory_space<vmem>>
        %dma_start3A_24 = arith.constant 0 : i32
        %dma_start3A_25 = tpu.memref_slice %arg7[%dma_start3A_24] : memref<1048576xf32, #tpu.memory_space<vmem_shared>> -> memref<1048576xf32, #tpu.memory_space<vmem_shared>>
        tpu.enqueue_indirect_dma source(%arg5 : memref<128xf32, #tpu.memory_space<vmem>>) target(%dma_start3A_25 : memref<1048576xf32, #tpu.memory_space<vmem_shared>>) offsets(%dma_start3A_23 : memref<128xi32, #tpu.memory_space<vmem>>) semaphore(%run_scoped3A_21 : memref<!tpu.dma_semaphore, #tpu.memory_space<semaphore_mem>>) {add = true}
        %dma_wait3A = arith.constant 0 : i32
        %dma_wait3A_26 = tpu.memref_slice %arg4[%run_scoped3A, %dma_wait3A] : memref<8x128xi32, #tpu.memory_space<vmem>> -> memref<1x128xi32, #tpu.memory_space<vmem>>
        %dma_wait3A_27 = tpu.memref_squeeze %dma_wait3A_26 : memref<1x128xi32, #tpu.memory_space<vmem>> -> memref<128xi32, #tpu.memory_space<vmem>>
        %dma_wait3A_28 = arith.constant 0 : i32
        %dma_wait3A_29 = tpu.memref_slice %arg7[%dma_wait3A_28] : memref<1048576xf32, #tpu.memory_space<vmem_shared>> -> memref<1048576xf32, #tpu.memory_space<vmem_shared>>
        tpu.wait_indirect_dma semaphore(%run_scoped3A_21 : memref<!tpu.dma_semaphore, #tpu.memory_space<semaphore_mem>>) src(%arg5 : memref<128xf32, #tpu.memory_space<vmem>>) dst(%dma_wait3A_29 : memref<1048576xf32, #tpu.memory_space<vmem_shared>>)
        tpu.yield
      }) : () -> ()
      %run_scoped3A_14 = arith.constant 1 : i32
      "tpu.region"() ({
        %run_scoped3A_21 = tpu.sem_alloc : memref<!tpu.dma_semaphore, #tpu.memory_space<semaphore_mem>>
        %dma_start3A = arith.constant 0 : i32
        %dma_start3A_22 = tpu.memref_slice %arg4[%run_scoped3A_14, %dma_start3A] : memref<8x128xi32, #tpu.memory_space<vmem>> -> memref<1x128xi32, #tpu.memory_space<vmem>>
        %dma_start3A_23 = tpu.memref_squeeze %dma_start3A_22 : memref<1x128xi32, #tpu.memory_space<vmem>> -> memref<128xi32, #tpu.memory_space<vmem>>
        %dma_start3A_24 = arith.constant 0 : i32
        %dma_start3A_25 = tpu.memref_slice %arg7[%dma_start3A_24] : memref<1048576xf32, #tpu.memory_space<vmem_shared>> -> memref<1048576xf32, #tpu.memory_space<vmem_shared>>
        tpu.enqueue_indirect_dma source(%arg5 : memref<128xf32, #tpu.memory_space<vmem>>) target(%dma_start3A_25 : memref<1048576xf32, #tpu.memory_space<vmem_shared>>) offsets(%dma_start3A_23 : memref<128xi32, #tpu.memory_space<vmem>>) semaphore(%run_scoped3A_21 : memref<!tpu.dma_semaphore, #tpu.memory_space<semaphore_mem>>) {add = true}
        %dma_wait3A = arith.constant 0 : i32
        %dma_wait3A_26 = tpu.memref_slice %arg4[%run_scoped3A_14, %dma_wait3A] : memref<8x128xi32, #tpu.memory_space<vmem>> -> memref<1x128xi32, #tpu.memory_space<vmem>>
        %dma_wait3A_27 = tpu.memref_squeeze %dma_wait3A_26 : memref<1x128xi32, #tpu.memory_space<vmem>> -> memref<128xi32, #tpu.memory_space<vmem>>
        %dma_wait3A_28 = arith.constant 0 : i32
        %dma_wait3A_29 = tpu.memref_slice %arg7[%dma_wait3A_28] : memref<1048576xf32, #tpu.memory_space<vmem_shared>> -> memref<1048576xf32, #tpu.memory_space<vmem_shared>>
        tpu.wait_indirect_dma semaphore(%run_scoped3A_21 : memref<!tpu.dma_semaphore, #tpu.memory_space<semaphore_mem>>) src(%arg5 : memref<128xf32, #tpu.memory_space<vmem>>) dst(%dma_wait3A_29 : memref<1048576xf32, #tpu.memory_space<vmem_shared>>)
        tpu.yield
      }) : () -> ()
      %run_scoped3A_15 = arith.constant 2 : i32
      "tpu.region"() ({
        %run_scoped3A_21 = tpu.sem_alloc : memref<!tpu.dma_semaphore, #tpu.memory_space<semaphore_mem>>
        %dma_start3A = arith.constant 0 : i32
        %dma_start3A_22 = tpu.memref_slice %arg4[%run_scoped3A_15, %dma_start3A] : memref<8x128xi32, #tpu.memory_space<vmem>> -> memref<1x128xi32, #tpu.memory_space<vmem>>
        %dma_start3A_23 = tpu.memref_squeeze %dma_start3A_22 : memref<1x128xi32, #tpu.memory_space<vmem>> -> memref<128xi32, #tpu.memory_space<vmem>>
        %dma_start3A_24 = arith.constant 0 : i32
        %dma_start3A_25 = tpu.memref_slice %arg7[%dma_start3A_24] : memref<1048576xf32, #tpu.memory_space<vmem_shared>> -> memref<1048576xf32, #tpu.memory_space<vmem_shared>>
        tpu.enqueue_indirect_dma source(%arg5 : memref<128xf32, #tpu.memory_space<vmem>>) target(%dma_start3A_25 : memref<1048576xf32, #tpu.memory_space<vmem_shared>>) offsets(%dma_start3A_23 : memref<128xi32, #tpu.memory_space<vmem>>) semaphore(%run_scoped3A_21 : memref<!tpu.dma_semaphore, #tpu.memory_space<semaphore_mem>>) {add = true}
        %dma_wait3A = arith.constant 0 : i32
        %dma_wait3A_26 = tpu.memref_slice %arg4[%run_scoped3A_15, %dma_wait3A] : memref<8x128xi32, #tpu.memory_space<vmem>> -> memref<1x128xi32, #tpu.memory_space<vmem>>
        %dma_wait3A_27 = tpu.memref_squeeze %dma_wait3A_26 : memref<1x128xi32, #tpu.memory_space<vmem>> -> memref<128xi32, #tpu.memory_space<vmem>>
        %dma_wait3A_28 = arith.constant 0 : i32
        %dma_wait3A_29 = tpu.memref_slice %arg7[%dma_wait3A_28] : memref<1048576xf32, #tpu.memory_space<vmem_shared>> -> memref<1048576xf32, #tpu.memory_space<vmem_shared>>
        tpu.wait_indirect_dma semaphore(%run_scoped3A_21 : memref<!tpu.dma_semaphore, #tpu.memory_space<semaphore_mem>>) src(%arg5 : memref<128xf32, #tpu.memory_space<vmem>>) dst(%dma_wait3A_29 : memref<1048576xf32, #tpu.memory_space<vmem_shared>>)
        tpu.yield
      }) : () -> ()
      %run_scoped3A_16 = arith.constant 3 : i32
      "tpu.region"() ({
        %run_scoped3A_21 = tpu.sem_alloc : memref<!tpu.dma_semaphore, #tpu.memory_space<semaphore_mem>>
        %dma_start3A = arith.constant 0 : i32
        %dma_start3A_22 = tpu.memref_slice %arg4[%run_scoped3A_16, %dma_start3A] : memref<8x128xi32, #tpu.memory_space<vmem>> -> memref<1x128xi32, #tpu.memory_space<vmem>>
        %dma_start3A_23 = tpu.memref_squeeze %dma_start3A_22 : memref<1x128xi32, #tpu.memory_space<vmem>> -> memref<128xi32, #tpu.memory_space<vmem>>
        %dma_start3A_24 = arith.constant 0 : i32
        %dma_start3A_25 = tpu.memref_slice %arg7[%dma_start3A_24] : memref<1048576xf32, #tpu.memory_space<vmem_shared>> -> memref<1048576xf32, #tpu.memory_space<vmem_shared>>
        tpu.enqueue_indirect_dma source(%arg5 : memref<128xf32, #tpu.memory_space<vmem>>) target(%dma_start3A_25 : memref<1048576xf32, #tpu.memory_space<vmem_shared>>) offsets(%dma_start3A_23 : memref<128xi32, #tpu.memory_space<vmem>>) semaphore(%run_scoped3A_21 : memref<!tpu.dma_semaphore, #tpu.memory_space<semaphore_mem>>) {add = true}
        %dma_wait3A = arith.constant 0 : i32
        %dma_wait3A_26 = tpu.memref_slice %arg4[%run_scoped3A_16, %dma_wait3A] : memref<8x128xi32, #tpu.memory_space<vmem>> -> memref<1x128xi32, #tpu.memory_space<vmem>>
        %dma_wait3A_27 = tpu.memref_squeeze %dma_wait3A_26 : memref<1x128xi32, #tpu.memory_space<vmem>> -> memref<128xi32, #tpu.memory_space<vmem>>
        %dma_wait3A_28 = arith.constant 0 : i32
        %dma_wait3A_29 = tpu.memref_slice %arg7[%dma_wait3A_28] : memref<1048576xf32, #tpu.memory_space<vmem_shared>> -> memref<1048576xf32, #tpu.memory_space<vmem_shared>>
        tpu.wait_indirect_dma semaphore(%run_scoped3A_21 : memref<!tpu.dma_semaphore, #tpu.memory_space<semaphore_mem>>) src(%arg5 : memref<128xf32, #tpu.memory_space<vmem>>) dst(%dma_wait3A_29 : memref<1048576xf32, #tpu.memory_space<vmem_shared>>)
        tpu.yield
      }) : () -> ()
      %run_scoped3A_17 = arith.constant 4 : i32
      "tpu.region"() ({
        %run_scoped3A_21 = tpu.sem_alloc : memref<!tpu.dma_semaphore, #tpu.memory_space<semaphore_mem>>
        %dma_start3A = arith.constant 0 : i32
        %dma_start3A_22 = tpu.memref_slice %arg4[%run_scoped3A_17, %dma_start3A] : memref<8x128xi32, #tpu.memory_space<vmem>> -> memref<1x128xi32, #tpu.memory_space<vmem>>
        %dma_start3A_23 = tpu.memref_squeeze %dma_start3A_22 : memref<1x128xi32, #tpu.memory_space<vmem>> -> memref<128xi32, #tpu.memory_space<vmem>>
        %dma_start3A_24 = arith.constant 0 : i32
        %dma_start3A_25 = tpu.memref_slice %arg7[%dma_start3A_24] : memref<1048576xf32, #tpu.memory_space<vmem_shared>> -> memref<1048576xf32, #tpu.memory_space<vmem_shared>>
        tpu.enqueue_indirect_dma source(%arg5 : memref<128xf32, #tpu.memory_space<vmem>>) target(%dma_start3A_25 : memref<1048576xf32, #tpu.memory_space<vmem_shared>>) offsets(%dma_start3A_23 : memref<128xi32, #tpu.memory_space<vmem>>) semaphore(%run_scoped3A_21 : memref<!tpu.dma_semaphore, #tpu.memory_space<semaphore_mem>>) {add = true}
        %dma_wait3A = arith.constant 0 : i32
        %dma_wait3A_26 = tpu.memref_slice %arg4[%run_scoped3A_17, %dma_wait3A] : memref<8x128xi32, #tpu.memory_space<vmem>> -> memref<1x128xi32, #tpu.memory_space<vmem>>
        %dma_wait3A_27 = tpu.memref_squeeze %dma_wait3A_26 : memref<1x128xi32, #tpu.memory_space<vmem>> -> memref<128xi32, #tpu.memory_space<vmem>>
        %dma_wait3A_28 = arith.constant 0 : i32
        %dma_wait3A_29 = tpu.memref_slice %arg7[%dma_wait3A_28] : memref<1048576xf32, #tpu.memory_space<vmem_shared>> -> memref<1048576xf32, #tpu.memory_space<vmem_shared>>
        tpu.wait_indirect_dma semaphore(%run_scoped3A_21 : memref<!tpu.dma_semaphore, #tpu.memory_space<semaphore_mem>>) src(%arg5 : memref<128xf32, #tpu.memory_space<vmem>>) dst(%dma_wait3A_29 : memref<1048576xf32, #tpu.memory_space<vmem_shared>>)
        tpu.yield
      }) : () -> ()
      %run_scoped3A_18 = arith.constant 5 : i32
      "tpu.region"() ({
        %run_scoped3A_21 = tpu.sem_alloc : memref<!tpu.dma_semaphore, #tpu.memory_space<semaphore_mem>>
        %dma_start3A = arith.constant 0 : i32
        %dma_start3A_22 = tpu.memref_slice %arg4[%run_scoped3A_18, %dma_start3A] : memref<8x128xi32, #tpu.memory_space<vmem>> -> memref<1x128xi32, #tpu.memory_space<vmem>>
        %dma_start3A_23 = tpu.memref_squeeze %dma_start3A_22 : memref<1x128xi32, #tpu.memory_space<vmem>> -> memref<128xi32, #tpu.memory_space<vmem>>
        %dma_start3A_24 = arith.constant 0 : i32
        %dma_start3A_25 = tpu.memref_slice %arg7[%dma_start3A_24] : memref<1048576xf32, #tpu.memory_space<vmem_shared>> -> memref<1048576xf32, #tpu.memory_space<vmem_shared>>
        tpu.enqueue_indirect_dma source(%arg5 : memref<128xf32, #tpu.memory_space<vmem>>) target(%dma_start3A_25 : memref<1048576xf32, #tpu.memory_space<vmem_shared>>) offsets(%dma_start3A_23 : memref<128xi32, #tpu.memory_space<vmem>>) semaphore(%run_scoped3A_21 : memref<!tpu.dma_semaphore, #tpu.memory_space<semaphore_mem>>) {add = true}
        %dma_wait3A = arith.constant 0 : i32
        %dma_wait3A_26 = tpu.memref_slice %arg4[%run_scoped3A_18, %dma_wait3A] : memref<8x128xi32, #tpu.memory_space<vmem>> -> memref<1x128xi32, #tpu.memory_space<vmem>>
        %dma_wait3A_27 = tpu.memref_squeeze %dma_wait3A_26 : memref<1x128xi32, #tpu.memory_space<vmem>> -> memref<128xi32, #tpu.memory_space<vmem>>
        %dma_wait3A_28 = arith.constant 0 : i32
        %dma_wait3A_29 = tpu.memref_slice %arg7[%dma_wait3A_28] : memref<1048576xf32, #tpu.memory_space<vmem_shared>> -> memref<1048576xf32, #tpu.memory_space<vmem_shared>>
        tpu.wait_indirect_dma semaphore(%run_scoped3A_21 : memref<!tpu.dma_semaphore, #tpu.memory_space<semaphore_mem>>) src(%arg5 : memref<128xf32, #tpu.memory_space<vmem>>) dst(%dma_wait3A_29 : memref<1048576xf32, #tpu.memory_space<vmem_shared>>)
        tpu.yield
      }) : () -> ()
      %run_scoped3A_19 = arith.constant 6 : i32
      "tpu.region"() ({
        %run_scoped3A_21 = tpu.sem_alloc : memref<!tpu.dma_semaphore, #tpu.memory_space<semaphore_mem>>
        %dma_start3A = arith.constant 0 : i32
        %dma_start3A_22 = tpu.memref_slice %arg4[%run_scoped3A_19, %dma_start3A] : memref<8x128xi32, #tpu.memory_space<vmem>> -> memref<1x128xi32, #tpu.memory_space<vmem>>
        %dma_start3A_23 = tpu.memref_squeeze %dma_start3A_22 : memref<1x128xi32, #tpu.memory_space<vmem>> -> memref<128xi32, #tpu.memory_space<vmem>>
        %dma_start3A_24 = arith.constant 0 : i32
        %dma_start3A_25 = tpu.memref_slice %arg7[%dma_start3A_24] : memref<1048576xf32, #tpu.memory_space<vmem_shared>> -> memref<1048576xf32, #tpu.memory_space<vmem_shared>>
        tpu.enqueue_indirect_dma source(%arg5 : memref<128xf32, #tpu.memory_space<vmem>>) target(%dma_start3A_25 : memref<1048576xf32, #tpu.memory_space<vmem_shared>>) offsets(%dma_start3A_23 : memref<128xi32, #tpu.memory_space<vmem>>) semaphore(%run_scoped3A_21 : memref<!tpu.dma_semaphore, #tpu.memory_space<semaphore_mem>>) {add = true}
        %dma_wait3A = arith.constant 0 : i32
        %dma_wait3A_26 = tpu.memref_slice %arg4[%run_scoped3A_19, %dma_wait3A] : memref<8x128xi32, #tpu.memory_space<vmem>> -> memref<1x128xi32, #tpu.memory_space<vmem>>
        %dma_wait3A_27 = tpu.memref_squeeze %dma_wait3A_26 : memref<1x128xi32, #tpu.memory_space<vmem>> -> memref<128xi32, #tpu.memory_space<vmem>>
        %dma_wait3A_28 = arith.constant 0 : i32
        %dma_wait3A_29 = tpu.memref_slice %arg7[%dma_wait3A_28] : memref<1048576xf32, #tpu.memory_space<vmem_shared>> -> memref<1048576xf32, #tpu.memory_space<vmem_shared>>
        tpu.wait_indirect_dma semaphore(%run_scoped3A_21 : memref<!tpu.dma_semaphore, #tpu.memory_space<semaphore_mem>>) src(%arg5 : memref<128xf32, #tpu.memory_space<vmem>>) dst(%dma_wait3A_29 : memref<1048576xf32, #tpu.memory_space<vmem_shared>>)
        tpu.yield
      }) : () -> ()
      %run_scoped3A_20 = arith.constant 7 : i32
      "tpu.region"() ({
        %run_scoped3A_21 = tpu.sem_alloc : memref<!tpu.dma_semaphore, #tpu.memory_space<semaphore_mem>>
        %dma_start3A = arith.constant 0 : i32
        %dma_start3A_22 = tpu.memref_slice %arg4[%run_scoped3A_20, %dma_start3A] : memref<8x128xi32, #tpu.memory_space<vmem>> -> memref<1x128xi32, #tpu.memory_space<vmem>>
        %dma_start3A_23 = tpu.memref_squeeze %dma_start3A_22 : memref<1x128xi32, #tpu.memory_space<vmem>> -> memref<128xi32, #tpu.memory_space<vmem>>
        %dma_start3A_24 = arith.constant 0 : i32
        %dma_start3A_25 = tpu.memref_slice %arg7[%dma_start3A_24] : memref<1048576xf32, #tpu.memory_space<vmem_shared>> -> memref<1048576xf32, #tpu.memory_space<vmem_shared>>
        tpu.enqueue_indirect_dma source(%arg5 : memref<128xf32, #tpu.memory_space<vmem>>) target(%dma_start3A_25 : memref<1048576xf32, #tpu.memory_space<vmem_shared>>) offsets(%dma_start3A_23 : memref<128xi32, #tpu.memory_space<vmem>>) semaphore(%run_scoped3A_21 : memref<!tpu.dma_semaphore, #tpu.memory_space<semaphore_mem>>) {add = true}
        %dma_wait3A = arith.constant 0 : i32
        %dma_wait3A_26 = tpu.memref_slice %arg4[%run_scoped3A_20, %dma_wait3A] : memref<8x128xi32, #tpu.memory_space<vmem>> -> memref<1x128xi32, #tpu.memory_space<vmem>>
        %dma_wait3A_27 = tpu.memref_squeeze %dma_wait3A_26 : memref<1x128xi32, #tpu.memory_space<vmem>> -> memref<128xi32, #tpu.memory_space<vmem>>
        %dma_wait3A_28 = arith.constant 0 : i32
        %dma_wait3A_29 = tpu.memref_slice %arg7[%dma_wait3A_28] : memref<1048576xf32, #tpu.memory_space<vmem_shared>> -> memref<1048576xf32, #tpu.memory_space<vmem_shared>>
        tpu.wait_indirect_dma semaphore(%run_scoped3A_21 : memref<!tpu.dma_semaphore, #tpu.memory_space<semaphore_mem>>) src(%arg5 : memref<128xf32, #tpu.memory_space<vmem>>) dst(%dma_wait3A_29 : memref<1048576xf32, #tpu.memory_space<vmem_shared>>)
        tpu.yield
      }) : () -> ()
    } else {
    }
    %barrier3A_8 = arith.constant 0 : index
    tpu.barrier barrier_id(%barrier3A_8)
    %eq3A_9 = arith.constant 0 : i32
    %eq3A_10 = arith.cmpi eq, %arg0, %eq3A_9 : i32
    %convert_element_type3A_11 = arith.extui %eq3A_10 : i1 to i32
    %cond3A_12 = arith.constant 0 : i32
    %cond3A_13 = arith.cmpi ne, %convert_element_type3A_11, %cond3A_12 : i32
    scf.if %cond3A_13 {
      %scan3A = arith.constant 0 : i32
      %scan3A_14 = arith.constant 16 : i32
      %scan3A_15 = arith.addi %scan3A, %scan3A_14 : i32
      %scan3A_16 = arith.constant 1 : i32
      scf.for %scan3A_18 = %scan3A to %scan3A_15 step %scan3A_16  : i32 {
        %mul3A_19 = arith.constant 4096 : i32
        %mul3A_20 = arith.muli %scan3A_18, %mul3A_19 : i32
        %add3A = arith.addi %mul3A_0, %mul3A_20 : i32
        "tpu.region"() ({
          %run_scoped3A = tpu.sem_alloc : memref<!tpu.dma_semaphore, #tpu.memory_space<semaphore_mem>>
          %dma_start3A = tpu.memref_slice %arg7[%add3A] : memref<1048576xf32, #tpu.memory_space<vmem_shared>> -> memref<4096xf32, #tpu.memory_space<vmem_shared>>
          %dma_start3A_24 = tpu.memref_slice %arg7[%add3A] : memref<1048576xf32, #tpu.memory_space<vmem_shared>> -> memref<4096xf32, #tpu.memory_space<vmem_shared>>
          tpu.enqueue_dma source(%dma_start3A_24 : memref<4096xf32, #tpu.memory_space<vmem_shared>>) target(%arg6 : memref<4096xf32, #tpu.memory_space<vmem>>) target_semaphore(%run_scoped3A : memref<!tpu.dma_semaphore, #tpu.memory_space<semaphore_mem>>)
          %dma_wait3A = tpu.memref_slice %arg7[%add3A] : memref<1048576xf32, #tpu.memory_space<vmem_shared>> -> memref<4096xf32, #tpu.memory_space<vmem_shared>>
          %dma_wait3A_25 = tpu.memref_slice %arg7[%add3A] : memref<1048576xf32, #tpu.memory_space<vmem_shared>> -> memref<4096xf32, #tpu.memory_space<vmem_shared>>
          tpu.wait_dma2 semaphore(%run_scoped3A : memref<!tpu.dma_semaphore, #tpu.memory_space<semaphore_mem>>) src(%dma_wait3A_25 : memref<4096xf32, #tpu.memory_space<vmem_shared>>) dst(%arg6 : memref<4096xf32, #tpu.memory_space<vmem>>)
          tpu.yield
        }) : () -> ()
        %mul3A_21 = arith.constant 4096 : i32
        %mul3A_22 = arith.muli %scan3A_18, %mul3A_21 : i32
        %add3A_23 = arith.addi %mul3A_0, %mul3A_22 : i32
        "tpu.region"() ({
          %run_scoped3A = tpu.sem_alloc : memref<!tpu.dma_semaphore, #tpu.memory_space<semaphore_mem>>
          %dma_start3A = tpu.memref_slice %arg3[%add3A_23] : memref<1048576xf32, #tpu.memory_space<hbm>> -> memref<4096xf32, #tpu.memory_space<hbm>>
          %dma_start3A_24 = tpu.memref_slice %arg3[%add3A_23] : memref<1048576xf32, #tpu.memory_space<hbm>> -> memref<4096xf32, #tpu.memory_space<hbm>>
          tpu.enqueue_dma source(%arg6 : memref<4096xf32, #tpu.memory_space<vmem>>) target(%dma_start3A_24 : memref<4096xf32, #tpu.memory_space<hbm>>) target_semaphore(%run_scoped3A : memref<!tpu.dma_semaphore, #tpu.memory_space<semaphore_mem>>)
          %dma_wait3A = tpu.memref_slice %arg3[%add3A_23] : memref<1048576xf32, #tpu.memory_space<hbm>> -> memref<4096xf32, #tpu.memory_space<hbm>>
          %dma_wait3A_25 = tpu.memref_slice %arg3[%add3A_23] : memref<1048576xf32, #tpu.memory_space<hbm>> -> memref<4096xf32, #tpu.memory_space<hbm>>
          tpu.wait_dma2 semaphore(%run_scoped3A : memref<!tpu.dma_semaphore, #tpu.memory_space<semaphore_mem>>) src(%arg6 : memref<4096xf32, #tpu.memory_space<vmem>>) dst(%dma_wait3A_25 : memref<4096xf32, #tpu.memory_space<hbm>>)
          tpu.yield
        }) : () -> ()
      }
      %scan3A_17 = arith.constant 16 : i32
    } else {
    }
    return
  }
}

module attributes {stable_mosaic.version = 14 : i64} {
  func.func @_tc_forward(%arg0: i32, %arg1: memref<1024x8x128xf32, #tpu.memory_space<vmem>>, %arg2: memref<4x64x1000xf32, #tpu.memory_space<vmem>>, %arg3: memref<4x64x256xf32, #tpu.memory_space<vmem>>, %arg4: memref<1x256xf32, #tpu.memory_space<vmem>>, %arg5: memref<1x256xf32, #tpu.memory_space<vmem>>, %arg6: memref<1x256xf32, #tpu.memory_space<vmem>>, %arg7: memref<256x256xf32, #tpu.memory_space<vmem>>, %arg8: memref<1x256xf32, #tpu.memory_space<vmem>>, %arg9: memref<1x256xf32, #tpu.memory_space<vmem>>, %arg10: memref<1x256xf32, #tpu.memory_space<vmem>>, %arg11: memref<256x256xf32, #tpu.memory_space<vmem>>, %arg12: memref<1x256xf32, #tpu.memory_space<vmem>>, %arg13: memref<1x256xf32, #tpu.memory_space<vmem>>, %arg14: memref<1x256xf32, #tpu.memory_space<vmem>>, %arg15: memref<64x64xf32, #tpu.memory_space<vmem>>, %arg16: memref<1x64xf32, #tpu.memory_space<vmem>>, %arg17: memref<64x2xf32, #tpu.memory_space<vmem>>, %arg18: memref<1x2xf32, #tpu.memory_space<vmem>>, %arg19: memref<256x256xf32, #tpu.memory_space<vmem>>, %arg20: memref<256x64xf32, #tpu.memory_space<vmem>>, %arg21: memref<8x2xf32, #tpu.memory_space<vmem>>, %arg22: memref<1024x1024xf32, #tpu.memory_space<vmem>>, %arg23: memref<1024x1xf32, #tpu.memory_space<vmem>>, %arg24: memref<8x256xf32, #tpu.memory_space<vmem>>) attributes {dimension_semantics = [#tpu.dimension_semantics<arbitrary>], iteration_bounds = array<i64: 16>, scalar_prefetch = 0 : i64, scratch_operands = 3 : i64, tpu.core_type = #tpu.core_type<tc>, window_params = [{pipeline_mode = #tpu.pipeline_mode<synchronous>, transform_indices = @transform_0, window_bounds = array<i64: 1024, 8, 128>}, {transform_indices = @transform_1, window_bounds = array<i64: 4, 64, 1000>}, {pipeline_mode = #tpu.pipeline_mode<synchronous>, transform_indices = @transform_2, window_bounds = array<i64: 4, 64, 256>}, {pipeline_mode = #tpu.pipeline_mode<synchronous>, transform_indices = @transform_3, window_bounds = array<i64: 1, 256>}, {pipeline_mode = #tpu.pipeline_mode<synchronous>, transform_indices = @transform_4, window_bounds = array<i64: 1, 256>}, {pipeline_mode = #tpu.pipeline_mode<synchronous>, transform_indices = @transform_5, window_bounds = array<i64: 1, 256>}, {pipeline_mode = #tpu.pipeline_mode<synchronous>, transform_indices = @transform_6, window_bounds = array<i64: 256, 256>}, {pipeline_mode = #tpu.pipeline_mode<synchronous>, transform_indices = @transform_7, window_bounds = array<i64: 1, 256>}, {pipeline_mode = #tpu.pipeline_mode<synchronous>, transform_indices = @transform_8, window_bounds = array<i64: 1, 256>}, {pipeline_mode = #tpu.pipeline_mode<synchronous>, transform_indices = @transform_9, window_bounds = array<i64: 1, 256>}, {pipeline_mode = #tpu.pipeline_mode<synchronous>, transform_indices = @transform_10, window_bounds = array<i64: 256, 256>}, {pipeline_mode = #tpu.pipeline_mode<synchronous>, transform_indices = @transform_11, window_bounds = array<i64: 1, 256>}, {pipeline_mode = #tpu.pipeline_mode<synchronous>, transform_indices = @transform_12, window_bounds = array<i64: 1, 256>}, {pipeline_mode = #tpu.pipeline_mode<synchronous>, transform_indices = @transform_13, window_bounds = array<i64: 1, 256>}, {pipeline_mode = #tpu.pipeline_mode<synchronous>, transform_indices = @transform_14, window_bounds = array<i64: 64, 64>}, {pipeline_mode = #tpu.pipeline_mode<synchronous>, transform_indices = @transform_15, window_bounds = array<i64: 1, 64>}, {pipeline_mode = #tpu.pipeline_mode<synchronous>, transform_indices = @transform_16, window_bounds = array<i64: 64, 2>}, {pipeline_mode = #tpu.pipeline_mode<synchronous>, transform_indices = @transform_17, window_bounds = array<i64: 1, 2>}, {pipeline_mode = #tpu.pipeline_mode<synchronous>, transform_indices = @transform_18, window_bounds = array<i64: 256, 256>}, {pipeline_mode = #tpu.pipeline_mode<synchronous>, transform_indices = @transform_19, window_bounds = array<i64: 256, 64>}, {pipeline_mode = #tpu.pipeline_mode<synchronous>, transform_indices = @transform_20, window_bounds = array<i64: 8, 2>}]} {
    %eq3A = arith.constant 0 : i32
    %eq3A_0 = arith.cmpi eq, %arg0, %eq3A : i32
    %convert_element_type3A = arith.extui %eq3A_0 : i1 to i32
    %cond3A = arith.constant 0 : i32
    %cond3A_1 = arith.cmpi ne, %convert_element_type3A, %cond3A : i32
    scf.if %cond3A_1 {
      %iota3A = tpu.iota {dimensions = array<i32: 0>} : vector<1024x128xi32>
      %iota3A_206 = tpu.iota {dimensions = array<i32: 1>} : vector<1024x128xi32>
      %add3A_207 = arith.constant 0 : i32
      %add3A_208 = vector.broadcast %add3A_207 : i32 to vector<1024x128xi32>
      %add3A_209 = arith.addi %iota3A_206, %add3A_208 : vector<1024x128xi32>
      %eq3A_210 = arith.cmpi eq, %iota3A, %add3A_209 : vector<1024x128xi32>
      %convert_element_type3A_211 = arith.extui %eq3A_210 : vector<1024x128xi1> to vector<1024x128xi32>
      %convert_element_type3A_212 = arith.sitofp %convert_element_type3A_211 : vector<1024x128xi32> to vector<1024x128xf32>
      %get3A_213 = arith.constant 0 : index
      %get3A_214 = arith.constant 0 : index
      %get3A_215 = arith.constant 0 : index
      %get3A_216 = vector.load %arg1[%get3A_213, %get3A_214, %get3A_215] : memref<1024x8x128xf32, #tpu.memory_space<vmem>>, vector<1024x1x128xf32>
      %get3A_217 = vector.shape_cast %get3A_216 : vector<1024x1x128xf32> to vector<1024x128xf32>
      %add3A_218 = arith.addf %get3A_217, %convert_element_type3A_212 : vector<1024x128xf32>
      %swap3A_219 = arith.constant 0 : index
      %swap3A_220 = arith.constant 0 : index
      %swap3A_221 = vector.load %arg22[%swap3A_219, %swap3A_220] : memref<1024x1024xf32, #tpu.memory_space<vmem>>, vector<1024x128xf32>
      tpu.vector_store %arg22[%swap3A_219, %swap3A_220], %add3A_218 {strides = array<i32>} : memref<1024x1024xf32, #tpu.memory_space<vmem>>, vector<1024x128xf32>,
      %add3A_222 = arith.constant 128 : i32
      %add3A_223 = vector.broadcast %add3A_222 : i32 to vector<1024x128xi32>
      %add3A_224 = arith.addi %iota3A_206, %add3A_223 : vector<1024x128xi32>
      %eq3A_225 = arith.cmpi eq, %iota3A, %add3A_224 : vector<1024x128xi32>
      %convert_element_type3A_226 = arith.extui %eq3A_225 : vector<1024x128xi1> to vector<1024x128xi32>
      %convert_element_type3A_227 = arith.sitofp %convert_element_type3A_226 : vector<1024x128xi32> to vector<1024x128xf32>
      %get3A_228 = arith.constant 0 : index
      %get3A_229 = arith.constant 1 : index
      %get3A_230 = arith.constant 0 : index
      %get3A_231 = vector.load %arg1[%get3A_228, %get3A_229, %get3A_230] : memref<1024x8x128xf32, #tpu.memory_space<vmem>>, vector<1024x1x128xf32>
      %get3A_232 = vector.shape_cast %get3A_231 : vector<1024x1x128xf32> to vector<1024x128xf32>
      %add3A_233 = arith.addf %get3A_232, %convert_element_type3A_227 : vector<1024x128xf32>
      %swap3A_234 = arith.constant 0 : index
      %swap3A_235 = arith.constant 128 : index
      %swap3A_236 = vector.load %arg22[%swap3A_234, %swap3A_235] : memref<1024x1024xf32, #tpu.memory_space<vmem>>, vector<1024x128xf32>
      tpu.vector_store %arg22[%swap3A_234, %swap3A_235], %add3A_233 {strides = array<i32>} : memref<1024x1024xf32, #tpu.memory_space<vmem>>, vector<1024x128xf32>,
      %add3A_237 = arith.constant 256 : i32
      %add3A_238 = vector.broadcast %add3A_237 : i32 to vector<1024x128xi32>
      %add3A_239 = arith.addi %iota3A_206, %add3A_238 : vector<1024x128xi32>
      %eq3A_240 = arith.cmpi eq, %iota3A, %add3A_239 : vector<1024x128xi32>
      %convert_element_type3A_241 = arith.extui %eq3A_240 : vector<1024x128xi1> to vector<1024x128xi32>
      %convert_element_type3A_242 = arith.sitofp %convert_element_type3A_241 : vector<1024x128xi32> to vector<1024x128xf32>
      %get3A_243 = arith.constant 0 : index
      %get3A_244 = arith.constant 2 : index
      %get3A_245 = arith.constant 0 : index
      %get3A_246 = vector.load %arg1[%get3A_243, %get3A_244, %get3A_245] : memref<1024x8x128xf32, #tpu.memory_space<vmem>>, vector<1024x1x128xf32>
      %get3A_247 = vector.shape_cast %get3A_246 : vector<1024x1x128xf32> to vector<1024x128xf32>
      %add3A_248 = arith.addf %get3A_247, %convert_element_type3A_242 : vector<1024x128xf32>
      %swap3A_249 = arith.constant 0 : index
      %swap3A_250 = arith.constant 256 : index
      %swap3A_251 = vector.load %arg22[%swap3A_249, %swap3A_250] : memref<1024x1024xf32, #tpu.memory_space<vmem>>, vector<1024x128xf32>
      tpu.vector_store %arg22[%swap3A_249, %swap3A_250], %add3A_248 {strides = array<i32>} : memref<1024x1024xf32, #tpu.memory_space<vmem>>, vector<1024x128xf32>,
      %add3A_252 = arith.constant 384 : i32
      %add3A_253 = vector.broadcast %add3A_252 : i32 to vector<1024x128xi32>
      %add3A_254 = arith.addi %iota3A_206, %add3A_253 : vector<1024x128xi32>
      %eq3A_255 = arith.cmpi eq, %iota3A, %add3A_254 : vector<1024x128xi32>
      %convert_element_type3A_256 = arith.extui %eq3A_255 : vector<1024x128xi1> to vector<1024x128xi32>
      %convert_element_type3A_257 = arith.sitofp %convert_element_type3A_256 : vector<1024x128xi32> to vector<1024x128xf32>
      %get3A_258 = arith.constant 0 : index
      %get3A_259 = arith.constant 3 : index
      %get3A_260 = arith.constant 0 : index
      %get3A_261 = vector.load %arg1[%get3A_258, %get3A_259, %get3A_260] : memref<1024x8x128xf32, #tpu.memory_space<vmem>>, vector<1024x1x128xf32>
      %get3A_262 = vector.shape_cast %get3A_261 : vector<1024x1x128xf32> to vector<1024x128xf32>
      %add3A_263 = arith.addf %get3A_262, %convert_element_type3A_257 : vector<1024x128xf32>
      %swap3A_264 = arith.constant 0 : index
      %swap3A_265 = arith.constant 384 : index
      %swap3A_266 = vector.load %arg22[%swap3A_264, %swap3A_265] : memref<1024x1024xf32, #tpu.memory_space<vmem>>, vector<1024x128xf32>
      tpu.vector_store %arg22[%swap3A_264, %swap3A_265], %add3A_263 {strides = array<i32>} : memref<1024x1024xf32, #tpu.memory_space<vmem>>, vector<1024x128xf32>,
      %add3A_267 = arith.constant 512 : i32
      %add3A_268 = vector.broadcast %add3A_267 : i32 to vector<1024x128xi32>
      %add3A_269 = arith.addi %iota3A_206, %add3A_268 : vector<1024x128xi32>
      %eq3A_270 = arith.cmpi eq, %iota3A, %add3A_269 : vector<1024x128xi32>
      %convert_element_type3A_271 = arith.extui %eq3A_270 : vector<1024x128xi1> to vector<1024x128xi32>
      %convert_element_type3A_272 = arith.sitofp %convert_element_type3A_271 : vector<1024x128xi32> to vector<1024x128xf32>
      %get3A_273 = arith.constant 0 : index
      %get3A_274 = arith.constant 4 : index
      %get3A_275 = arith.constant 0 : index
      %get3A_276 = vector.load %arg1[%get3A_273, %get3A_274, %get3A_275] : memref<1024x8x128xf32, #tpu.memory_space<vmem>>, vector<1024x1x128xf32>
      %get3A_277 = vector.shape_cast %get3A_276 : vector<1024x1x128xf32> to vector<1024x128xf32>
      %add3A_278 = arith.addf %get3A_277, %convert_element_type3A_272 : vector<1024x128xf32>
      %swap3A_279 = arith.constant 0 : index
      %swap3A_280 = arith.constant 512 : index
      %swap3A_281 = vector.load %arg22[%swap3A_279, %swap3A_280] : memref<1024x1024xf32, #tpu.memory_space<vmem>>, vector<1024x128xf32>
      tpu.vector_store %arg22[%swap3A_279, %swap3A_280], %add3A_278 {strides = array<i32>} : memref<1024x1024xf32, #tpu.memory_space<vmem>>, vector<1024x128xf32>,
      %add3A_282 = arith.constant 640 : i32
      %add3A_283 = vector.broadcast %add3A_282 : i32 to vector<1024x128xi32>
      %add3A_284 = arith.addi %iota3A_206, %add3A_283 : vector<1024x128xi32>
      %eq3A_285 = arith.cmpi eq, %iota3A, %add3A_284 : vector<1024x128xi32>
      %convert_element_type3A_286 = arith.extui %eq3A_285 : vector<1024x128xi1> to vector<1024x128xi32>
      %convert_element_type3A_287 = arith.sitofp %convert_element_type3A_286 : vector<1024x128xi32> to vector<1024x128xf32>
      %get3A_288 = arith.constant 0 : index
      %get3A_289 = arith.constant 5 : index
      %get3A_290 = arith.constant 0 : index
      %get3A_291 = vector.load %arg1[%get3A_288, %get3A_289, %get3A_290] : memref<1024x8x128xf32, #tpu.memory_space<vmem>>, vector<1024x1x128xf32>
      %get3A_292 = vector.shape_cast %get3A_291 : vector<1024x1x128xf32> to vector<1024x128xf32>
      %add3A_293 = arith.addf %get3A_292, %convert_element_type3A_287 : vector<1024x128xf32>
      %swap3A_294 = arith.constant 0 : index
      %swap3A_295 = arith.constant 640 : index
      %swap3A_296 = vector.load %arg22[%swap3A_294, %swap3A_295] : memref<1024x1024xf32, #tpu.memory_space<vmem>>, vector<1024x128xf32>
      tpu.vector_store %arg22[%swap3A_294, %swap3A_295], %add3A_293 {strides = array<i32>} : memref<1024x1024xf32, #tpu.memory_space<vmem>>, vector<1024x128xf32>,
      %add3A_297 = arith.constant 768 : i32
      %add3A_298 = vector.broadcast %add3A_297 : i32 to vector<1024x128xi32>
      %add3A_299 = arith.addi %iota3A_206, %add3A_298 : vector<1024x128xi32>
      %eq3A_300 = arith.cmpi eq, %iota3A, %add3A_299 : vector<1024x128xi32>
      %convert_element_type3A_301 = arith.extui %eq3A_300 : vector<1024x128xi1> to vector<1024x128xi32>
      %convert_element_type3A_302 = arith.sitofp %convert_element_type3A_301 : vector<1024x128xi32> to vector<1024x128xf32>
      %get3A_303 = arith.constant 0 : index
      %get3A_304 = arith.constant 6 : index
      %get3A_305 = arith.constant 0 : index
      %get3A_306 = vector.load %arg1[%get3A_303, %get3A_304, %get3A_305] : memref<1024x8x128xf32, #tpu.memory_space<vmem>>, vector<1024x1x128xf32>
      %get3A_307 = vector.shape_cast %get3A_306 : vector<1024x1x128xf32> to vector<1024x128xf32>
      %add3A_308 = arith.addf %get3A_307, %convert_element_type3A_302 : vector<1024x128xf32>
      %swap3A_309 = arith.constant 0 : index
      %swap3A_310 = arith.constant 768 : index
      %swap3A_311 = vector.load %arg22[%swap3A_309, %swap3A_310] : memref<1024x1024xf32, #tpu.memory_space<vmem>>, vector<1024x128xf32>
      tpu.vector_store %arg22[%swap3A_309, %swap3A_310], %add3A_308 {strides = array<i32>} : memref<1024x1024xf32, #tpu.memory_space<vmem>>, vector<1024x128xf32>,
      %add3A_312 = arith.constant 896 : i32
      %add3A_313 = vector.broadcast %add3A_312 : i32 to vector<1024x128xi32>
      %add3A_314 = arith.addi %iota3A_206, %add3A_313 : vector<1024x128xi32>
      %eq3A_315 = arith.cmpi eq, %iota3A, %add3A_314 : vector<1024x128xi32>
      %convert_element_type3A_316 = arith.extui %eq3A_315 : vector<1024x128xi1> to vector<1024x128xi32>
      %convert_element_type3A_317 = arith.sitofp %convert_element_type3A_316 : vector<1024x128xi32> to vector<1024x128xf32>
      %get3A_318 = arith.constant 0 : index
      %get3A_319 = arith.constant 7 : index
      %get3A_320 = arith.constant 0 : index
      %get3A_321 = vector.load %arg1[%get3A_318, %get3A_319, %get3A_320] : memref<1024x8x128xf32, #tpu.memory_space<vmem>>, vector<1024x1x128xf32>
      %get3A_322 = vector.shape_cast %get3A_321 : vector<1024x1x128xf32> to vector<1024x128xf32>
      %add3A_323 = arith.addf %get3A_322, %convert_element_type3A_317 : vector<1024x128xf32>
      %swap3A_324 = arith.constant 0 : index
      %swap3A_325 = arith.constant 896 : index
      %swap3A_326 = vector.load %arg22[%swap3A_324, %swap3A_325] : memref<1024x1024xf32, #tpu.memory_space<vmem>>, vector<1024x128xf32>
      tpu.vector_store %arg22[%swap3A_324, %swap3A_325], %add3A_323 {strides = array<i32>} : memref<1024x1024xf32, #tpu.memory_space<vmem>>, vector<1024x128xf32>,
      %get3A_327 = arith.constant 0 : index
      %get3A_328 = arith.constant 0 : index
      %get3A_329 = vector.load %arg22[%get3A_327, %get3A_328] : memref<1024x1024xf32, #tpu.memory_space<vmem>>, vector<1024x1024xf32>
      %reduce_sum3A_330 = arith.constant dense<0.000000e+00> : vector<1024xf32>
      %reduce_sum3A_331 = vector.multi_reduction <add>, %get3A_329, %reduce_sum3A_330 [1] : vector<1024x1024xf32> to vector<1024xf32>
      %broadcast_in_dim3A_332 = vector.shape_cast %reduce_sum3A_331 : vector<1024xf32> to vector<1024x1xf32>
      %max3A_333 = arith.constant 1.000000e+00 : f32
      %max3A_334 = vector.broadcast %max3A_333 : f32 to vector<1024x1xf32>
      %max3A_335 = arith.maximumf %broadcast_in_dim3A_332, %max3A_334 : vector<1024x1xf32>
      %rsqrt3A_336 = math.rsqrt %max3A_335 : vector<1024x1xf32>
      %swap3A_337 = arith.constant 0 : index
      %swap3A_338 = arith.constant 0 : index
      %swap3A_339 = vector.load %arg23[%swap3A_337, %swap3A_338] : memref<1024x1xf32, #tpu.memory_space<vmem>>, vector<1024x1xf32>
      tpu.vector_store %arg23[%swap3A_337, %swap3A_338], %rsqrt3A_336 {strides = array<i32>} : memref<1024x1xf32, #tpu.memory_space<vmem>>, vector<1024x1xf32>,
      %broadcast_in_dim3A_340 = arith.constant 0.000000e+00 : f32
      %broadcast_in_dim3A_341 = vector.broadcast %broadcast_in_dim3A_340 : f32 to vector<8x256xf32>
      %swap3A_342 = arith.constant 0 : index
      %swap3A_343 = arith.constant 0 : index
      %swap3A_344 = vector.load %arg24[%swap3A_342, %swap3A_343] : memref<8x256xf32, #tpu.memory_space<vmem>>, vector<8x256xf32>
      tpu.vector_store %arg24[%swap3A_342, %swap3A_343], %broadcast_in_dim3A_341 {strides = array<i32>} : memref<8x256xf32, #tpu.memory_space<vmem>>, vector<8x256xf32>,
    } else {
    }
    %get3A = arith.constant 0 : index
    %get3A_2 = arith.constant 0 : index
    %get3A_3 = vector.load %arg22[%get3A, %get3A_2] : memref<1024x1024xf32, #tpu.memory_space<vmem>>, vector<1024x1024xf32>
    %get3A_4 = arith.constant 0 : index
    %get3A_5 = arith.constant 0 : index
    %get3A_6 = vector.load %arg23[%get3A_4, %get3A_5] : memref<1024x1xf32, #tpu.memory_space<vmem>>, vector<1024x1xf32>
    %get3A_7 = arith.constant 0 : index
    %get3A_8 = arith.constant 0 : index
    %get3A_9 = vector.load %arg19[%get3A_7, %get3A_8] : memref<256x256xf32, #tpu.memory_space<vmem>>, vector<256x256xf32>
    %get3A_10 = arith.constant 0 : index
    %get3A_11 = arith.constant 0 : index
    %get3A_12 = arith.constant 0 : index
    %get3A_13 = vector.load %arg2[%get3A_10, %get3A_11, %get3A_12] : memref<4x64x1000xf32, #tpu.memory_space<vmem>>, vector<1x64x1000xf32>
    %get3A_14 = vector.shape_cast %get3A_13 : vector<1x64x1000xf32> to vector<64x1000xf32>
    %get3A_15 = arith.constant 0 : index
    %get3A_16 = arith.constant 0 : index
    %get3A_17 = arith.constant 0 : index
    %get3A_18 = vector.load %arg3[%get3A_15, %get3A_16, %get3A_17] : memref<4x64x256xf32, #tpu.memory_space<vmem>>, vector<1x64x256xf32>
    %get3A_19 = vector.shape_cast %get3A_18 : vector<1x64x256xf32> to vector<64x256xf32>
    %dot_general3A = arith.constant dense<0.000000e+00> : vector<1000x256xf32>
    %dot_general3A_20 = tpu.matmul %get3A_14, %get3A_19, %dot_general3A {dimension_numbers = #tpu.dot_dimension_numbers<[0], [0], [1], [1], [0, 1, 1, 1], [], []>, transpose_lhs_hint = false} : vector<64x1000xf32>, vector<64x256xf32>, vector<1000x256xf32> -> vector<1000x256xf32>
    %get3A_21 = arith.constant 1 : index
    %get3A_22 = arith.constant 0 : index
    %get3A_23 = arith.constant 0 : index
    %get3A_24 = vector.load %arg2[%get3A_21, %get3A_22, %get3A_23] : memref<4x64x1000xf32, #tpu.memory_space<vmem>>, vector<1x64x1000xf32>
    %get3A_25 = vector.shape_cast %get3A_24 : vector<1x64x1000xf32> to vector<64x1000xf32>
    %get3A_26 = arith.constant 1 : index
    %get3A_27 = arith.constant 0 : index
    %get3A_28 = arith.constant 0 : index
    %get3A_29 = vector.load %arg3[%get3A_26, %get3A_27, %get3A_28] : memref<4x64x256xf32, #tpu.memory_space<vmem>>, vector<1x64x256xf32>
    %get3A_30 = vector.shape_cast %get3A_29 : vector<1x64x256xf32> to vector<64x256xf32>
    %dot_general3A_31 = arith.constant dense<0.000000e+00> : vector<1000x256xf32>
    %dot_general3A_32 = tpu.matmul %get3A_25, %get3A_30, %dot_general3A_31 {dimension_numbers = #tpu.dot_dimension_numbers<[0], [0], [1], [1], [0, 1, 1, 1], [], []>, transpose_lhs_hint = false} : vector<64x1000xf32>, vector<64x256xf32>, vector<1000x256xf32> -> vector<1000x256xf32>
    %add3A = arith.addf %dot_general3A_20, %dot_general3A_32 : vector<1000x256xf32>
    %get3A_33 = arith.constant 2 : index
    %get3A_34 = arith.constant 0 : index
    %get3A_35 = arith.constant 0 : index
    %get3A_36 = vector.load %arg2[%get3A_33, %get3A_34, %get3A_35] : memref<4x64x1000xf32, #tpu.memory_space<vmem>>, vector<1x64x1000xf32>
    %get3A_37 = vector.shape_cast %get3A_36 : vector<1x64x1000xf32> to vector<64x1000xf32>
    %get3A_38 = arith.constant 2 : index
    %get3A_39 = arith.constant 0 : index
    %get3A_40 = arith.constant 0 : index
    %get3A_41 = vector.load %arg3[%get3A_38, %get3A_39, %get3A_40] : memref<4x64x256xf32, #tpu.memory_space<vmem>>, vector<1x64x256xf32>
    %get3A_42 = vector.shape_cast %get3A_41 : vector<1x64x256xf32> to vector<64x256xf32>
    %dot_general3A_43 = arith.constant dense<0.000000e+00> : vector<1000x256xf32>
    %dot_general3A_44 = tpu.matmul %get3A_37, %get3A_42, %dot_general3A_43 {dimension_numbers = #tpu.dot_dimension_numbers<[0], [0], [1], [1], [0, 1, 1, 1], [], []>, transpose_lhs_hint = false} : vector<64x1000xf32>, vector<64x256xf32>, vector<1000x256xf32> -> vector<1000x256xf32>
    %add3A_45 = arith.addf %add3A, %dot_general3A_44 : vector<1000x256xf32>
    %get3A_46 = arith.constant 3 : index
    %get3A_47 = arith.constant 0 : index
    %get3A_48 = arith.constant 0 : index
    %get3A_49 = vector.load %arg2[%get3A_46, %get3A_47, %get3A_48] : memref<4x64x1000xf32, #tpu.memory_space<vmem>>, vector<1x64x1000xf32>
    %get3A_50 = vector.shape_cast %get3A_49 : vector<1x64x1000xf32> to vector<64x1000xf32>
    %get3A_51 = arith.constant 3 : index
    %get3A_52 = arith.constant 0 : index
    %get3A_53 = arith.constant 0 : index
    %get3A_54 = vector.load %arg3[%get3A_51, %get3A_52, %get3A_53] : memref<4x64x256xf32, #tpu.memory_space<vmem>>, vector<1x64x256xf32>
    %get3A_55 = vector.shape_cast %get3A_54 : vector<1x64x256xf32> to vector<64x256xf32>
    %dot_general3A_56 = arith.constant dense<0.000000e+00> : vector<1000x256xf32>
    %dot_general3A_57 = tpu.matmul %get3A_50, %get3A_55, %dot_general3A_56 {dimension_numbers = #tpu.dot_dimension_numbers<[0], [0], [1], [1], [0, 1, 1, 1], [], []>, transpose_lhs_hint = false} : vector<64x1000xf32>, vector<64x256xf32>, vector<1000x256xf32> -> vector<1000x256xf32>
    %add3A_58 = arith.addf %add3A_45, %dot_general3A_57 : vector<1000x256xf32>
    %broadcast_in_dim3A = arith.constant 0.000000e+00 : f32
    %broadcast_in_dim3A_59 = vector.broadcast %broadcast_in_dim3A : f32 to vector<24x256xf32>
    %concatenate3A = tpu.concatenate %add3A_58, %broadcast_in_dim3A_59 in 0 : vector<1000x256xf32>, vector<24x256xf32> -> vector<1024x256xf32>
    %mul3A = vector.broadcast %get3A_6 : vector<1024x1xf32> to vector<1024x256xf32>
    %mul3A_60 = arith.mulf %concatenate3A, %mul3A : vector<1024x256xf32>
    %dot_general3A_61 = arith.constant dense<0.000000e+00> : vector<1024x256xf32>
    %dot_general3A_62 = tpu.matmul %get3A_3, %mul3A_60, %dot_general3A_61 {dimension_numbers = #tpu.dot_dimension_numbers<[1], [0], [0], [1], [0, 0, 1, 1], [], []>, transpose_lhs_hint = false} : vector<1024x1024xf32>, vector<1024x256xf32>, vector<1024x256xf32> -> vector<1024x256xf32>
    %mul3A_63 = vector.broadcast %get3A_6 : vector<1024x1xf32> to vector<1024x256xf32>
    %mul3A_64 = arith.mulf %mul3A_63, %dot_general3A_62 : vector<1024x256xf32>
    %get3A_65 = arith.constant 0 : index
    %get3A_66 = arith.constant 0 : index
    %get3A_67 = vector.load %arg4[%get3A_65, %get3A_66] : memref<1x256xf32, #tpu.memory_space<vmem>>, vector<1x256xf32>
    %add3A_68 = vector.broadcast %get3A_67 : vector<1x256xf32> to vector<1024x256xf32>
    %add3A_69 = arith.addf %mul3A_64, %add3A_68 : vector<1024x256xf32>
    %dot_general3A_70 = arith.constant dense<0.000000e+00> : vector<1024x256xf32>
    %dot_general3A_71 = tpu.matmul %add3A_69, %get3A_9, %dot_general3A_70 {dimension_numbers = #tpu.dot_dimension_numbers<[1], [0], [0], [1], [0, 0, 1, 1], [], []>, transpose_lhs_hint = false} : vector<1024x256xf32>, vector<256x256xf32>, vector<1024x256xf32> -> vector<1024x256xf32>
    %sub3A = arith.subf %add3A_69, %dot_general3A_71 : vector<1024x256xf32>
    %mul3A_72 = arith.mulf %sub3A, %sub3A : vector<1024x256xf32>
    %dot_general3A_73 = arith.constant dense<0.000000e+00> : vector<1024x256xf32>
    %dot_general3A_74 = tpu.matmul %mul3A_72, %get3A_9, %dot_general3A_73 {dimension_numbers = #tpu.dot_dimension_numbers<[1], [0], [0], [1], [0, 0, 1, 1], [], []>, transpose_lhs_hint = false} : vector<1024x256xf32>, vector<256x256xf32>, vector<1024x256xf32> -> vector<1024x256xf32>
    %add3A_75 = arith.constant 9.99999974E-6 : f32
    %add3A_76 = vector.broadcast %add3A_75 : f32 to vector<1024x256xf32>
    %add3A_77 = arith.addf %dot_general3A_74, %add3A_76 : vector<1024x256xf32>
    %rsqrt3A = math.rsqrt %add3A_77 : vector<1024x256xf32>
    %mul3A_78 = arith.mulf %sub3A, %rsqrt3A : vector<1024x256xf32>
    %get3A_79 = arith.constant 0 : index
    %get3A_80 = arith.constant 0 : index
    %get3A_81 = vector.load %arg5[%get3A_79, %get3A_80] : memref<1x256xf32, #tpu.memory_space<vmem>>, vector<1x256xf32>
    %mul3A_82 = vector.broadcast %get3A_81 : vector<1x256xf32> to vector<1024x256xf32>
    %mul3A_83 = arith.mulf %mul3A_78, %mul3A_82 : vector<1024x256xf32>
    %get3A_84 = arith.constant 0 : index
    %get3A_85 = arith.constant 0 : index
    %get3A_86 = vector.load %arg6[%get3A_84, %get3A_85] : memref<1x256xf32, #tpu.memory_space<vmem>>, vector<1x256xf32>
    %add3A_87 = vector.broadcast %get3A_86 : vector<1x256xf32> to vector<1024x256xf32>
    %add3A_88 = arith.addf %mul3A_83, %add3A_87 : vector<1024x256xf32>
    %max3A = arith.constant 0.000000e+00 : f32
    %max3A_89 = vector.broadcast %max3A : f32 to vector<1024x256xf32>
    %max3A_90 = arith.maximumf %add3A_88, %max3A_89 : vector<1024x256xf32>
    %get3A_91 = arith.constant 0 : index
    %get3A_92 = arith.constant 0 : index
    %get3A_93 = vector.load %arg7[%get3A_91, %get3A_92] : memref<256x256xf32, #tpu.memory_space<vmem>>, vector<256x256xf32>
    %dot_general3A_94 = arith.constant dense<0.000000e+00> : vector<1024x256xf32>
    %dot_general3A_95 = tpu.matmul %max3A_90, %get3A_93, %dot_general3A_94 {dimension_numbers = #tpu.dot_dimension_numbers<[1], [0], [0], [1], [0, 0, 1, 1], [], []>, transpose_lhs_hint = false} : vector<1024x256xf32>, vector<256x256xf32>, vector<1024x256xf32> -> vector<1024x256xf32>
    %mul3A_96 = vector.broadcast %get3A_6 : vector<1024x1xf32> to vector<1024x256xf32>
    %mul3A_97 = arith.mulf %dot_general3A_95, %mul3A_96 : vector<1024x256xf32>
    %dot_general3A_98 = arith.constant dense<0.000000e+00> : vector<1024x256xf32>
    %dot_general3A_99 = tpu.matmul %get3A_3, %mul3A_97, %dot_general3A_98 {dimension_numbers = #tpu.dot_dimension_numbers<[1], [0], [0], [1], [0, 0, 1, 1], [], []>, transpose_lhs_hint = false} : vector<1024x1024xf32>, vector<1024x256xf32>, vector<1024x256xf32> -> vector<1024x256xf32>
    %mul3A_100 = vector.broadcast %get3A_6 : vector<1024x1xf32> to vector<1024x256xf32>
    %mul3A_101 = arith.mulf %mul3A_100, %dot_general3A_99 : vector<1024x256xf32>
    %get3A_102 = arith.constant 0 : index
    %get3A_103 = arith.constant 0 : index
    %get3A_104 = vector.load %arg8[%get3A_102, %get3A_103] : memref<1x256xf32, #tpu.memory_space<vmem>>, vector<1x256xf32>
    %add3A_105 = vector.broadcast %get3A_104 : vector<1x256xf32> to vector<1024x256xf32>
    %add3A_106 = arith.addf %mul3A_101, %add3A_105 : vector<1024x256xf32>
    %dot_general3A_107 = arith.constant dense<0.000000e+00> : vector<1024x256xf32>
    %dot_general3A_108 = tpu.matmul %add3A_106, %get3A_9, %dot_general3A_107 {dimension_numbers = #tpu.dot_dimension_numbers<[1], [0], [0], [1], [0, 0, 1, 1], [], []>, transpose_lhs_hint = false} : vector<1024x256xf32>, vector<256x256xf32>, vector<1024x256xf32> -> vector<1024x256xf32>
    %sub3A_109 = arith.subf %add3A_106, %dot_general3A_108 : vector<1024x256xf32>
    %mul3A_110 = arith.mulf %sub3A_109, %sub3A_109 : vector<1024x256xf32>
    %dot_general3A_111 = arith.constant dense<0.000000e+00> : vector<1024x256xf32>
    %dot_general3A_112 = tpu.matmul %mul3A_110, %get3A_9, %dot_general3A_111 {dimension_numbers = #tpu.dot_dimension_numbers<[1], [0], [0], [1], [0, 0, 1, 1], [], []>, transpose_lhs_hint = false} : vector<1024x256xf32>, vector<256x256xf32>, vector<1024x256xf32> -> vector<1024x256xf32>
    %add3A_113 = arith.constant 9.99999974E-6 : f32
    %add3A_114 = vector.broadcast %add3A_113 : f32 to vector<1024x256xf32>
    %add3A_115 = arith.addf %dot_general3A_112, %add3A_114 : vector<1024x256xf32>
    %rsqrt3A_116 = math.rsqrt %add3A_115 : vector<1024x256xf32>
    %mul3A_117 = arith.mulf %sub3A_109, %rsqrt3A_116 : vector<1024x256xf32>
    %get3A_118 = arith.constant 0 : index
    %get3A_119 = arith.constant 0 : index
    %get3A_120 = vector.load %arg9[%get3A_118, %get3A_119] : memref<1x256xf32, #tpu.memory_space<vmem>>, vector<1x256xf32>
    %mul3A_121 = vector.broadcast %get3A_120 : vector<1x256xf32> to vector<1024x256xf32>
    %mul3A_122 = arith.mulf %mul3A_117, %mul3A_121 : vector<1024x256xf32>
    %get3A_123 = arith.constant 0 : index
    %get3A_124 = arith.constant 0 : index
    %get3A_125 = vector.load %arg10[%get3A_123, %get3A_124] : memref<1x256xf32, #tpu.memory_space<vmem>>, vector<1x256xf32>
    %add3A_126 = vector.broadcast %get3A_125 : vector<1x256xf32> to vector<1024x256xf32>
    %add3A_127 = arith.addf %mul3A_122, %add3A_126 : vector<1024x256xf32>
    %max3A_128 = arith.constant 0.000000e+00 : f32
    %max3A_129 = vector.broadcast %max3A_128 : f32 to vector<1024x256xf32>
    %max3A_130 = arith.maximumf %add3A_127, %max3A_129 : vector<1024x256xf32>
    %add3A_131 = arith.addf %max3A_130, %max3A_90 : vector<1024x256xf32>
    %get3A_132 = arith.constant 0 : index
    %get3A_133 = arith.constant 0 : index
    %get3A_134 = vector.load %arg11[%get3A_132, %get3A_133] : memref<256x256xf32, #tpu.memory_space<vmem>>, vector<256x256xf32>
    %dot_general3A_135 = arith.constant dense<0.000000e+00> : vector<1024x256xf32>
    %dot_general3A_136 = tpu.matmul %add3A_131, %get3A_134, %dot_general3A_135 {dimension_numbers = #tpu.dot_dimension_numbers<[1], [0], [0], [1], [0, 0, 1, 1], [], []>, transpose_lhs_hint = false} : vector<1024x256xf32>, vector<256x256xf32>, vector<1024x256xf32> -> vector<1024x256xf32>
    %mul3A_137 = vector.broadcast %get3A_6 : vector<1024x1xf32> to vector<1024x256xf32>
    %mul3A_138 = arith.mulf %dot_general3A_136, %mul3A_137 : vector<1024x256xf32>
    %dot_general3A_139 = arith.constant dense<0.000000e+00> : vector<1024x256xf32>
    %dot_general3A_140 = tpu.matmul %get3A_3, %mul3A_138, %dot_general3A_139 {dimension_numbers = #tpu.dot_dimension_numbers<[1], [0], [0], [1], [0, 0, 1, 1], [], []>, transpose_lhs_hint = false} : vector<1024x1024xf32>, vector<1024x256xf32>, vector<1024x256xf32> -> vector<1024x256xf32>
    %mul3A_141 = vector.broadcast %get3A_6 : vector<1024x1xf32> to vector<1024x256xf32>
    %mul3A_142 = arith.mulf %mul3A_141, %dot_general3A_140 : vector<1024x256xf32>
    %get3A_143 = arith.constant 0 : index
    %get3A_144 = arith.constant 0 : index
    %get3A_145 = vector.load %arg12[%get3A_143, %get3A_144] : memref<1x256xf32, #tpu.memory_space<vmem>>, vector<1x256xf32>
    %add3A_146 = vector.broadcast %get3A_145 : vector<1x256xf32> to vector<1024x256xf32>
    %add3A_147 = arith.addf %mul3A_142, %add3A_146 : vector<1024x256xf32>
    %dot_general3A_148 = arith.constant dense<0.000000e+00> : vector<1024x256xf32>
    %dot_general3A_149 = tpu.matmul %add3A_147, %get3A_9, %dot_general3A_148 {dimension_numbers = #tpu.dot_dimension_numbers<[1], [0], [0], [1], [0, 0, 1, 1], [], []>, transpose_lhs_hint = false} : vector<1024x256xf32>, vector<256x256xf32>, vector<1024x256xf32> -> vector<1024x256xf32>
    %sub3A_150 = arith.subf %add3A_147, %dot_general3A_149 : vector<1024x256xf32>
    %mul3A_151 = arith.mulf %sub3A_150, %sub3A_150 : vector<1024x256xf32>
    %dot_general3A_152 = arith.constant dense<0.000000e+00> : vector<1024x256xf32>
    %dot_general3A_153 = tpu.matmul %mul3A_151, %get3A_9, %dot_general3A_152 {dimension_numbers = #tpu.dot_dimension_numbers<[1], [0], [0], [1], [0, 0, 1, 1], [], []>, transpose_lhs_hint = false} : vector<1024x256xf32>, vector<256x256xf32>, vector<1024x256xf32> -> vector<1024x256xf32>
    %add3A_154 = arith.constant 9.99999974E-6 : f32
    %add3A_155 = vector.broadcast %add3A_154 : f32 to vector<1024x256xf32>
    %add3A_156 = arith.addf %dot_general3A_153, %add3A_155 : vector<1024x256xf32>
    %rsqrt3A_157 = math.rsqrt %add3A_156 : vector<1024x256xf32>
    %mul3A_158 = arith.mulf %sub3A_150, %rsqrt3A_157 : vector<1024x256xf32>
    %get3A_159 = arith.constant 0 : index
    %get3A_160 = arith.constant 0 : index
    %get3A_161 = vector.load %arg13[%get3A_159, %get3A_160] : memref<1x256xf32, #tpu.memory_space<vmem>>, vector<1x256xf32>
    %mul3A_162 = vector.broadcast %get3A_161 : vector<1x256xf32> to vector<1024x256xf32>
    %mul3A_163 = arith.mulf %mul3A_158, %mul3A_162 : vector<1024x256xf32>
    %get3A_164 = arith.constant 0 : index
    %get3A_165 = arith.constant 0 : index
    %get3A_166 = vector.load %arg14[%get3A_164, %get3A_165] : memref<1x256xf32, #tpu.memory_space<vmem>>, vector<1x256xf32>
    %add3A_167 = vector.broadcast %get3A_166 : vector<1x256xf32> to vector<1024x256xf32>
    %add3A_168 = arith.addf %mul3A_163, %add3A_167 : vector<1024x256xf32>
    %max3A_169 = arith.constant 0.000000e+00 : f32
    %max3A_170 = vector.broadcast %max3A_169 : f32 to vector<1024x256xf32>
    %max3A_171 = arith.maximumf %add3A_168, %max3A_170 : vector<1024x256xf32>
    %add3A_172 = arith.addf %max3A_171, %add3A_131 : vector<1024x256xf32>
    %slice3A = vector.extract_strided_slice %add3A_172 {offsets = [0, 0], sizes = [1000, 256], strides = [1, 1]} : vector<1024x256xf32> to vector<1000x256xf32>
    %reduce_sum3A = arith.constant dense<0.000000e+00> : vector<256xf32>
    %reduce_sum3A_173 = vector.multi_reduction <add>, %slice3A, %reduce_sum3A [0] : vector<1000x256xf32> to vector<256xf32>
    %broadcast_in_dim3A_174 = vector.shape_cast %reduce_sum3A_173 : vector<256xf32> to vector<1x256xf32>
    %mul3A_175 = arith.constant 1.250000e-04 : f32
    %mul3A_176 = vector.broadcast %mul3A_175 : f32 to vector<1x256xf32>
    %mul3A_177 = arith.mulf %broadcast_in_dim3A_174, %mul3A_176 : vector<1x256xf32>
    %jit3A = arith.constant 2 : i32
    %div3A = arith.divsi %arg0, %jit3A : i32
    %sign3A = arith.constant 0 : i32
    %sign3A_178 = arith.cmpi sgt, %arg0, %sign3A : i32
    %sign3A_179 = arith.extui %sign3A_178 : i1 to i32
    %sign3A_180 = arith.constant 0 : i32
    %sign3A_181 = arith.cmpi slt, %arg0, %sign3A_180 : i32
    %sign3A_182 = arith.extui %sign3A_181 : i1 to i32
    %sign3A_183 = arith.subi %sign3A_179, %sign3A_182 : i32
    %sign3A_184 = arith.constant 0 : i32
    %sign3A_185 = arith.cmpi sgt, %jit3A, %sign3A_184 : i32
    %sign3A_186 = arith.extui %sign3A_185 : i1 to i32
    %sign3A_187 = arith.constant 0 : i32
    %sign3A_188 = arith.cmpi slt, %jit3A, %sign3A_187 : i32
    %sign3A_189 = arith.extui %sign3A_188 : i1 to i32
    %sign3A_190 = arith.subi %sign3A_186, %sign3A_189 : i32
    %ne3A = arith.cmpi ne, %sign3A_183, %sign3A_190 : i32
    %rem3A = arith.remsi %arg0, %jit3A : i32
    %ne3A_191 = arith.constant 0 : i32
    %ne3A_192 = arith.cmpi ne, %rem3A, %ne3A_191 : i32
    %and3A = arith.andi %ne3A, %ne3A_192 : i1
    %sub3A_193 = arith.constant 1 : i32
    %sub3A_194 = arith.subi %div3A, %sub3A_193 : i32
    %select_n3A = arith.select %and3A, %sub3A_194, %div3A : i32
    %get3A_195 = arith.index_cast %select_n3A : i32 to index
    %get3A_196 = arith.constant 0 : index
    %get3A_197 = vector.load %arg24[%get3A_195, %get3A_196] : memref<8x256xf32, #tpu.memory_space<vmem>>, vector<1x256xf32>
    %add3A_198 = arith.addf %get3A_197, %mul3A_177 : vector<1x256xf32>
    %swap3A = arith.index_cast %select_n3A : i32 to index
    %swap3A_199 = arith.constant 0 : index
    %swap3A_200 = vector.load %arg24[%swap3A, %swap3A_199] : memref<8x256xf32, #tpu.memory_space<vmem>>, vector<1x256xf32>
    tpu.vector_store %arg24[%swap3A, %swap3A_199], %add3A_198 {strides = array<i32>} : memref<8x256xf32, #tpu.memory_space<vmem>>, vector<1x256xf32>,
    %eq3A_201 = arith.constant 15 : i32
    %eq3A_202 = arith.cmpi eq, %arg0, %eq3A_201 : i32
    %convert_element_type3A_203 = arith.extui %eq3A_202 : i1 to i32
    %cond3A_204 = arith.constant 0 : i32
    %cond3A_205 = arith.cmpi ne, %convert_element_type3A_203, %cond3A_204 : i32
    scf.if %cond3A_205 {
      %get3A_206 = arith.constant 0 : index
      %get3A_207 = arith.constant 0 : index
      %get3A_208 = vector.load %arg24[%get3A_206, %get3A_207] : memref<8x256xf32, #tpu.memory_space<vmem>>, vector<8x256xf32>
      %get3A_209 = arith.constant 0 : index
      %get3A_210 = arith.constant 0 : index
      %get3A_211 = vector.load %arg20[%get3A_209, %get3A_210] : memref<256x64xf32, #tpu.memory_space<vmem>>, vector<256x64xf32>
      %dot_general3A_212 = arith.constant dense<0.000000e+00> : vector<8x64xf32>
      %dot_general3A_213 = tpu.matmul %get3A_208, %get3A_211, %dot_general3A_212 {dimension_numbers = #tpu.dot_dimension_numbers<[1], [0], [0], [1], [0, 0, 1, 1], [], []>, transpose_lhs_hint = false} : vector<8x256xf32>, vector<256x64xf32>, vector<8x64xf32> -> vector<8x64xf32>
      %get3A_214 = arith.constant 0 : index
      %get3A_215 = arith.constant 0 : index
      %get3A_216 = vector.load %arg15[%get3A_214, %get3A_215] : memref<64x64xf32, #tpu.memory_space<vmem>>, vector<64x64xf32>
      %dot_general3A_217 = arith.constant dense<0.000000e+00> : vector<8x64xf32>
      %dot_general3A_218 = tpu.matmul %dot_general3A_213, %get3A_216, %dot_general3A_217 {dimension_numbers = #tpu.dot_dimension_numbers<[1], [0], [0], [1], [0, 0, 1, 1], [], []>, transpose_lhs_hint = false} : vector<8x64xf32>, vector<64x64xf32>, vector<8x64xf32> -> vector<8x64xf32>
      %get3A_219 = arith.constant 0 : index
      %get3A_220 = arith.constant 0 : index
      %get3A_221 = vector.load %arg16[%get3A_219, %get3A_220] : memref<1x64xf32, #tpu.memory_space<vmem>>, vector<1x64xf32>
      %add3A_222 = vector.broadcast %get3A_221 : vector<1x64xf32> to vector<8x64xf32>
      %add3A_223 = arith.addf %dot_general3A_218, %add3A_222 : vector<8x64xf32>
      %max3A_224 = arith.constant 0.000000e+00 : f32
      %max3A_225 = vector.broadcast %max3A_224 : f32 to vector<8x64xf32>
      %max3A_226 = arith.maximumf %add3A_223, %max3A_225 : vector<8x64xf32>
      %get3A_227 = arith.constant 0 : index
      %get3A_228 = arith.constant 0 : index
      %get3A_229 = vector.load %arg17[%get3A_227, %get3A_228] : memref<64x2xf32, #tpu.memory_space<vmem>>, vector<64x2xf32>
      %dot_general3A_230 = arith.constant dense<0.000000e+00> : vector<8x2xf32>
      %dot_general3A_231 = tpu.matmul %max3A_226, %get3A_229, %dot_general3A_230 {dimension_numbers = #tpu.dot_dimension_numbers<[1], [0], [0], [1], [0, 0, 1, 1], [], []>, transpose_lhs_hint = false} : vector<8x64xf32>, vector<64x2xf32>, vector<8x2xf32> -> vector<8x2xf32>
      %get3A_232 = arith.constant 0 : index
      %get3A_233 = arith.constant 0 : index
      %get3A_234 = vector.load %arg18[%get3A_232, %get3A_233] : memref<1x2xf32, #tpu.memory_space<vmem>>, vector<1x2xf32>
      %add3A_235 = vector.broadcast %get3A_234 : vector<1x2xf32> to vector<8x2xf32>
      %add3A_236 = arith.addf %dot_general3A_231, %add3A_235 : vector<8x2xf32>
      %swap3A_237 = arith.constant 0 : index
      %swap3A_238 = arith.constant 0 : index
      %swap3A_239 = vector.load %arg21[%swap3A_237, %swap3A_238] : memref<8x2xf32, #tpu.memory_space<vmem>>, vector<8x2xf32>
      tpu.vector_store %arg21[%swap3A_237, %swap3A_238], %add3A_236 {strides = array<i32>} : memref<8x2xf32, #tpu.memory_space<vmem>>, vector<8x2xf32>,
    } else {
    }
    return
  }
  func.func @transform_0(%arg0: i32) -> (i32, i32, i32) {
    %c0_i32 = arith.constant 0 : i32
    %c0_i32_0 = arith.constant 0 : i32
    %c0_i32_1 = arith.constant 0 : i32
    %c0_i32_2 = arith.constant 0 : i32
    return %c0_i32, %c0_i32_0, %c0_i32_1 : i32, i32, i32
  }
  func.func @transform_1(%arg0: i32) -> (i32, i32, i32) {
    %c0_i32 = arith.constant 0 : i32
    %c0_i32_0 = arith.constant 0 : i32
    %c0_i32_1 = arith.constant 0 : i32
    return %arg0, %c0_i32, %c0_i32_0 : i32, i32, i32
  }
  func.func @transform_2(%arg0: i32) -> (i32, i32, i32) {
    %c0_i32 = arith.constant 0 : i32
    %c0_i32_0 = arith.constant 0 : i32
    %c0_i32_1 = arith.constant 0 : i32
    %c0_i32_2 = arith.constant 0 : i32
    return %c0_i32, %c0_i32_0, %c0_i32_1 : i32, i32, i32
  }
  func.func @transform_3(%arg0: i32) -> (i32, i32) {
    %c0_i32 = arith.constant 0 : i32
    %c0_i32_0 = arith.constant 0 : i32
    %c0_i32_1 = arith.constant 0 : i32
    return %c0_i32, %c0_i32_0 : i32, i32
  }
  func.func @transform_4(%arg0: i32) -> (i32, i32) {
    %c0_i32 = arith.constant 0 : i32
    %c0_i32_0 = arith.constant 0 : i32
    %c0_i32_1 = arith.constant 0 : i32
    return %c0_i32, %c0_i32_0 : i32, i32
  }
  func.func @transform_5(%arg0: i32) -> (i32, i32) {
    %c0_i32 = arith.constant 0 : i32
    %c0_i32_0 = arith.constant 0 : i32
    %c0_i32_1 = arith.constant 0 : i32
    return %c0_i32, %c0_i32_0 : i32, i32
  }
  func.func @transform_6(%arg0: i32) -> (i32, i32) {
    %c0_i32 = arith.constant 0 : i32
    %c0_i32_0 = arith.constant 0 : i32
    %c0_i32_1 = arith.constant 0 : i32
    return %c0_i32, %c0_i32_0 : i32, i32
  }
  func.func @transform_7(%arg0: i32) -> (i32, i32) {
    %c0_i32 = arith.constant 0 : i32
    %c0_i32_0 = arith.constant 0 : i32
    %c0_i32_1 = arith.constant 0 : i32
    return %c0_i32, %c0_i32_0 : i32, i32
  }
  func.func @transform_8(%arg0: i32) -> (i32, i32) {
    %c0_i32 = arith.constant 0 : i32
    %c0_i32_0 = arith.constant 0 : i32
    %c0_i32_1 = arith.constant 0 : i32
    return %c0_i32, %c0_i32_0 : i32, i32
  }
  func.func @transform_9(%arg0: i32) -> (i32, i32) {
    %c0_i32 = arith.constant 0 : i32
    %c0_i32_0 = arith.constant 0 : i32
    %c0_i32_1 = arith.constant 0 : i32
    return %c0_i32, %c0_i32_0 : i32, i32
  }
  func.func @transform_10(%arg0: i32) -> (i32, i32) {
    %c0_i32 = arith.constant 0 : i32
    %c0_i32_0 = arith.constant 0 : i32
    %c0_i32_1 = arith.constant 0 : i32
    return %c0_i32, %c0_i32_0 : i32, i32
  }
  func.func @transform_11(%arg0: i32) -> (i32, i32) {
    %c0_i32 = arith.constant 0 : i32
    %c0_i32_0 = arith.constant 0 : i32
    %c0_i32_1 = arith.constant 0 : i32
    return %c0_i32, %c0_i32_0 : i32, i32
  }
  func.func @transform_12(%arg0: i32) -> (i32, i32) {
    %c0_i32 = arith.constant 0 : i32
    %c0_i32_0 = arith.constant 0 : i32
    %c0_i32_1 = arith.constant 0 : i32
    return %c0_i32, %c0_i32_0 : i32, i32
  }
  func.func @transform_13(%arg0: i32) -> (i32, i32) {
    %c0_i32 = arith.constant 0 : i32
    %c0_i32_0 = arith.constant 0 : i32
    %c0_i32_1 = arith.constant 0 : i32
    return %c0_i32, %c0_i32_0 : i32, i32
  }
  func.func @transform_14(%arg0: i32) -> (i32, i32) {
    %c0_i32 = arith.constant 0 : i32
    %c0_i32_0 = arith.constant 0 : i32
    %c0_i32_1 = arith.constant 0 : i32
    return %c0_i32, %c0_i32_0 : i32, i32
  }
  func.func @transform_15(%arg0: i32) -> (i32, i32) {
    %c0_i32 = arith.constant 0 : i32
    %c0_i32_0 = arith.constant 0 : i32
    %c0_i32_1 = arith.constant 0 : i32
    return %c0_i32, %c0_i32_0 : i32, i32
  }
  func.func @transform_16(%arg0: i32) -> (i32, i32) {
    %c0_i32 = arith.constant 0 : i32
    %c0_i32_0 = arith.constant 0 : i32
    %c0_i32_1 = arith.constant 0 : i32
    return %c0_i32, %c0_i32_0 : i32, i32
  }
  func.func @transform_17(%arg0: i32) -> (i32, i32) {
    %c0_i32 = arith.constant 0 : i32
    %c0_i32_0 = arith.constant 0 : i32
    %c0_i32_1 = arith.constant 0 : i32
    return %c0_i32, %c0_i32_0 : i32, i32
  }
  func.func @transform_18(%arg0: i32) -> (i32, i32) {
    %c0_i32 = arith.constant 0 : i32
    %c0_i32_0 = arith.constant 0 : i32
    %c0_i32_1 = arith.constant 0 : i32
    return %c0_i32, %c0_i32_0 : i32, i32
  }
  func.func @transform_19(%arg0: i32) -> (i32, i32) {
    %c0_i32 = arith.constant 0 : i32
    %c0_i32_0 = arith.constant 0 : i32
    %c0_i32_1 = arith.constant 0 : i32
    return %c0_i32, %c0_i32_0 : i32, i32
  }
  func.func @transform_20(%arg0: i32) -> (i32, i32) {
    %c0_i32 = arith.constant 0 : i32
    %c0_i32_0 = arith.constant 0 : i32
    %c0_i32_1 = arith.constant 0 : i32
    return %c0_i32, %c0_i32_0 : i32, i32
  }
}

</mosaic_0001>

<sc_bundles>
// kernel: kernel.4.cloned.1.call-start
scs
__scs_entry_jumppad:
0x0: {  	(pc) =	sbr.rel $0x88, $3  }
0x1: {  	(tag) =	ssettag $0x0;
	lr =	simm.s32 $0x1  }
0x2: {  	[smem:$0x3F8F] =	sst lr;
	_ =	strace $0xD0000000  }
0x3: {  	_ = 	snop  }
0x4: {  	_ = 	snop  }
0x5: {  	_ = 	snop  }
0x6: {  	_ = 	snop  }
0x7: {  	_ = 	snop  }
__scs_overlays_trampoline_lowered:
0x8: {  	[smem:$0x3F9E] =	sst s0  }
0x9: {  	[smem:$0x3F9F] =	sst s1  }
0xa: {  	[smem:$0x3FA0] =	sst s2  }
0xb: {  	[smem:$0x3FA1] =	sst s3  }
0xc: {  	[smem:$0x3FA2] =	sst s4  }
0xd: {  	[smem:$0x3FA3] =	sst s5  }
0xe: {  	[smem:$0x3FA4] =	sst s6  }
0xf: {  	[smem:$0x3FA5] =	sst s7  }
0x10: {  	[smem:$0x3FA6] =	sst s8  }
0x11: {  	[smem:$0x3FA7] =	sst s9;
	s0 =	simm.s32 @!p0 $0x0  }
0x12: {  	s1 =	sld [smem:$0x3F8D];
	s0 =	simm.s32 @p0 $0x1  }
0x13: {  	[smem:$0x3FA8] =	sst s0;
	s0 =	simm.s32 @!p1 $0x0  }
0x14: {  	s2 =	sld [smem:$0x3F8C];
	s0 =	simm.s32 @p1 $0x1  }
0x15: {  	[smem:$0x3FA9] =	sst s0;
	s0 =	simm.s32 @!p2 $0x0  }
0x16: {  	s3 =	sld [smem:$0x3FDB];
	s0 =	simm.s32 @p2 $0x1  }
0x17: {  	s4 =	simm.s32 $0x1BF5;
	[smem:$0x3FAB] =	sst s0  }
0x18: {  	s0 =	sld [smem:$0x3F8E];
	_ =	swait.ge [sflag:s4], $0x0  }
0x19: {  	s7 =	sld [smem:$0x3F8F]  }
0x1a: {  	s8 =	sadd.s32 $0xFFFFE003, lr  }
0x1b: {  	s9 =	sadd.s32 $0xFFFFFEF7, lr;
	s5 =	simm.s32 $0xFFFFFFFF;
	p2 =	slt.u32 s8, $0xFFFFF086  }
0x1c: {  	p1 =	slt.u32 s9, $0xF7A;
	s5 =	simm.s32 @!p2 $0x0  }
0x1d: {  	s5 =	simm.s32 @p1 $0x1;
	p0 =	seq.s32 s7, s2  }
0x1e: {  	s7 =	smul.u32 @!p0 $0xF7A, s2;
	p2 =	seq.s32 @!p0 s5, $0x0  }
0x1f: {  	s9 =	smul.u32 $0xF7A, s1;
	s8 =	simm.s32 @!p0 $0x1BF5;
	p2 =	por !p2, p0  }
0x20: {  	[sflag:s8] =	ssyncset.s32 @!p0 $0xFFFFF086;
	s6 =	sadd.s32 @!p0 s3, s7;
	s7 =	simm.s32 @!p0 $0x108  }
0x21: {  	s3 =	sadd.s32 s3, s9;
	s6 =	sadd.s32 @!p0 $0x88, s6;
	s7 =	simm.s32 @p2 $0x1082  }
0x22: {  	[simem:s7], [sflag:s8] =	dma.local @!p0 [hbm:s6], $0xF7A  }
0x23: {  	s9 =	sor.u32 $0xD0000000, s2;
	s6 =	simm.s32 $0x108;
	_ =	swait.ge @!p0 [sflag:s8], $0x0  }
0x24: {  	s3 =	sadd.s32 $0x88, s3;
	s6 =	simm.s32 @!p1 $0x1082;
	[sflag:s4] =	ssyncset.s32 $0xFFFFF086  }
0x25: {  	[simem:s6], [sflag:s4] =	dma.local [hbm:s3], $0xF7A  }
0x26: {  	[smem:$0x3F8F] =	sst s1;
	(tag) =	ssettag s2;
	_ =	strace s9  }
0x27: {  	s1 =	sld [smem:$0x3F9F]  }
0x28: {  	s2 =	sld [smem:$0x3FA0]  }
0x29: {  	s4 =	sld [smem:$0x3FA2]  }
0x2a: {  	p0 =	seq.s32 s5, $0x0;
	s5 =	sld [smem:$0x3FA3]  }
0x2b: {  	s6 =	sld [smem:$0x3FA4]  }
0x2c: {  	s7 =	sld [smem:$0x3FA5]  }
0x2d: {  	s3 =	simm.s32 $0x108;
	s8 =	sld [smem:$0x3FA6]  }
0x2e: {  	s3 =	simm.s32 @!p0 $0x1082;
	s9 =	sld [smem:$0x3FA7]  }
0x2f: {  	lr =	sadd.s32 s0, s3;
	s0 =	sld [smem:$0x3F9E]  }
0x30: {  	s3 =	sld [smem:$0x3FA1]  }
0x31: {  	[smem:$0x3FAA] =	sst s10  }
0x32: {  	s10 =	sld [smem:$0x3FA8];
	_ =	sdelay $0x3  }
0x33: {  	p0 =	seq.s32 s10, $0x1;
	s10 =	sld [smem:$0x3FAA];
	_ =	sdelay $0x3  }
0x34: {  	[smem:$0x3FAA] =	sst s10  }
0x35: {  	s10 =	sld [smem:$0x3FA9];
	_ =	sdelay $0x3  }
0x36: {  	p1 =	seq.s32 s10, $0x1;
	s10 =	sld [smem:$0x3FAA];
	_ =	sdelay $0x3  }
0x37: {  	[smem:$0x3FAA] =	sst s10  }
0x38: {  	s10 =	sld [smem:$0x3FAB]  }
0x39: {  	_ = 	snop;
	(pc) =	sbr.ind lr, $3  }
0x3a: {  	_ = 	snop  }
0x3b: {  	_ = 	snop  }
0x3c: {  	p2 =	seq.s32 s10, $0x1;
	s10 =	sld [smem:$0x3FAA]  }
0x3d: {  	_ =	shalt  }
0x3e: {  	_ =	shalt  }
0x3f: {  	_ =	shalt  }
0x40: {  	_ =	shalt  }
0x41: {  	_ =	shalt  }
0x42: {  	_ =	shalt  }
0x43: {  	_ =	shalt  }
0x44: {  	_ =	shalt  }
0x45: {  	_ =	shalt  }
0x46: {  	_ =	shalt  }
0x47: {  	_ =	shalt  }
0x48: {  	_ =	shalt  }
0x49: {  	_ =	shalt  }
0x4a: {  	_ =	shalt  }
0x4b: {  	_ =	shalt  }
0x4c: {  	_ =	shalt  }
0x4d: {  	_ =	shalt  }
0x4e: {  	_ =	shalt  }
0x4f: {  	_ =	shalt  }
0x50: {  	_ =	shalt  }
0x51: {  	_ =	shalt  }
0x52: {  	_ =	shalt  }
0x53: {  	_ =	shalt  }
0x54: {  	_ =	shalt  }
0x55: {  	_ =	shalt  }
0x56: {  	_ =	shalt  }
0x57: {  	_ =	shalt  }
0x58: {  	_ =	shalt  }
0x59: {  	_ =	shalt  }
0x5a: {  	_ =	shalt  }
0x5b: {  	_ =	shalt  }
0x5c: {  	_ =	shalt  }
0x5d: {  	_ =	shalt  }
0x5e: {  	_ =	shalt  }
0x5f: {  	_ =	shalt  }
0x60: {  	_ =	shalt  }
0x61: {  	_ =	shalt  }
0x62: {  	_ =	shalt  }
0x63: {  	_ =	shalt  }
0x64: {  	_ =	shalt  }
0x65: {  	_ =	shalt  }
0x66: {  	_ =	shalt  }
0x67: {  	_ =	shalt  }
0x68: {  	_ =	shalt  }
0x69: {  	_ =	shalt  }
0x6a: {  	_ =	shalt  }
0x6b: {  	_ =	shalt  }
0x6c: {  	_ =	shalt  }
0x6d: {  	_ =	shalt  }
0x6e: {  	_ =	shalt  }
0x6f: {  	_ =	shalt  }
0x70: {  	_ =	shalt  }
0x71: {  	_ =	shalt  }
0x72: {  	_ =	shalt  }
0x73: {  	_ =	shalt  }
0x74: {  	_ =	shalt  }
0x75: {  	_ =	shalt  }
0x76: {  	_ =	shalt  }
0x77: {  	_ =	shalt  }
0x78: {  	_ =	shalt  }
0x79: {  	_ =	shalt  }
0x7a: {  	_ =	shalt  }
0x7b: {  	_ =	shalt  }
0x7c: {  	_ =	shalt  }
0x7d: {  	_ =	shalt  }
0x7e: {  	_ =	shalt  }
0x7f: {  	_ =	shalt  }
0x80: {  	_ =	shalt  }
0x81: {  	_ =	shalt  }
0x82: {  	_ =	shalt  }
0x83: {  	_ =	shalt  }
0x84: {  	_ =	shalt  }
0x85: {  	_ =	shalt  }
0x86: {  	_ =	shalt  }
0x87: {  	_ =	shalt  }
.Lfunc_end0:
.L_simem_size_0:
called_computation_lowered:
.L_overlay_start_0:
0x88: {  	s2 =	sld [smem:$0x3FD9]  }
0x89: {  	s3 =	sld [smem:$0x3FFE];
	_ =	sdelay $0x1  }
0x8a: {  	s1 =	srdreg.scid  }
0x8b: {  	s0 =	sand.u32 $0x1, s1  }
0x8c: {  	s16 =	sshll.u32 s0, $0xA;
	s2 =	sadd.s32 s3, s2  }
0x8d: {  	s2 =	sadd.s32 s2, s16  }
0x8e: {  	[smem:$0x3FB6] =	sst s2  }
0x8f: {  	_ = 	snop  }
0x90: {  	(tm) =	ssettm $0x1  }
0x91: {  	s17 =	sld [smem:$0x3FFB];
	_ =	sdelay $0x3  }
0x92: {  	_ =	strace s17  }
0x93: {  	s2 =	sld [smem:$0x3FFC];
	_ =	sdelay $0x3  }
0x94: {  	_ =	strace s2  }
0x95: {  	s2 =	sld [smem:$0x3FFD];
	_ =	sdelay $0x3  }
0x96: {  	_ =	strace s2  }
0x97: {  	_ =	strace $0x8FFFFFFF  }
0x98: {  	s18 =	sld [smem:$0x3FDB];
	_ =	sdelay $0x1  }
0x99: {  	s19 =	simm.s32 $_scs_section_size  }
0x9a: {  	s4 =	simm.s32 $_size__tile_overlayer_lowered;
	s5 =	simm.s32 $_tile_overlayer_lowered  }
0x9b: {  	s22 =	simm.s32 $0x1BFF;
	s21 =	sshll.u32 s5, $0x1;
	s2 =	sadd.s32 s19, s18  }
0x9c: {  	s6 =	simm.s32 $0x0;
	s20 =	sshll.u32 s4, $0x1;
	s4 =	sadd.s32 s21, s2  }
0x9d: {  	[timem:s6], [sflag:s22] =	dma.local [hbm:s4], s20  }
0x9e: {  	_ =	swait.ge [sflag:s22], s20  }
0x9f: {  	s3 =	ssub.s32 $0x0, s20;
	[sflag:s22] =	ssyncset.done $0x0  }
0xa0: {  	[sflag:s22] =	ssyncadd.s32 s3;
	_ =	sdelay $0x1  }
0xa1: {  	s23 =	simm.s32 $0x1B8B  }
0xa2: {  	_ =	swait.ge [sflag:s23], $0x1  }
0xa3: {  	[sflag:s23] =	ssyncset.done $0x0  }
0xa4: {  	s25 =	simm.s32 $0x1B8E;
	s24 =	sld [smem:$0x3FFE];
	[sflag:s23] =	ssyncadd.s32 $0xFFFFFFFF  }
0xa5: {  	s26 =	simm.s32 $execute0_lowered;
	[smem:$0x3FD2] =	sst s25  }
0xa6: {  	s4 =	sshll.u32 s26, $0x1;
	_ =	strace $0x80000046;
	[dreg:$0x1] =	wrdreg $0xFFFFFFFF  }
0xa7: {  	s28 =	simm.s32 $_size_execute0_lowered;
	s2 =	sadd.s32 s2, s4;
	[dreg:$0x0] =	wrdreg $0x0  }
0xa8: {  	s4 =	sshll.u32 s28, $0x1;
	[dreg:$0x2] =	wrdreg s2  }
0xa9: {  	[dreg:$0x3] =	wrdreg s4  }
0xaa: {  	[dreg:$0x4] =	wrdreg $0xC0  }
0xab: {  	_ =	task [dreg:s6], $0x5FFFF  }
0xac: {  	[dreg:$0x1] =	wrdreg $0xFFFFFFFF  }
0xad: {  	[dreg:$0x0] =	wrdreg $0x60  }
0xae: {  	[dreg:$0x2] =	wrdreg s24  }
0xaf: {  	[dreg:$0x3] =	wrdreg $0x14800  }
0xb0: {  	[dreg:$0x4] =	wrdreg $0x9  }
0xb1: {  	_ =	task.clear_ibuf [dreg:s6], $0x5FFFF;
	_ =	strace $0x90000046  }
0xb2: {  	s29 =	simm.s32 $0x9;
	_ =	strace $0x80000048  }
0xb3: {  	_ =	swait.ge [sflag:s29], $0x1  }
0xb4: {  	[sflag:s29] =	ssyncadd.s32 $0xFFFFFFFF  }
0xb5: {  	_ =	strace $0x90000048  }
0xb6: {  	_ =	sfence  }
0xb7: {  	s30 =	sld [smem:$0x0];
	_ =	sdelay $0x2  }
0xb8: {  	s31 =	sshll.u32 s1, $0xD;
	s1 =	sshrl.u32 s1, $0x2  }
0xb9: {  	s3 =	sand.u32 $0x4000, s31;
	s1 =	sadd.s32 s1, s30  }
0xba: {  	s0 =	sor.u32 s3, s0;
	s1 =	sshll.u32 s1, $0x11  }
0xbb: {  	s0 =	sor.u32 s1, s0  }
0xbc: {  	s0 =	sadd.s32 $0x8F2B, s0  }
0xbd: {  	[sflag:s0] =	ssyncadd.remote.s32 $0x1  }
0xbe: {  	_ =	sfence.sel $0xFFFF  }
0xbf: {  	[dreg:$0x0] =	wrdreg $0xFFFFFFFF;
	(pc) =	sbr.abs _section_cstart, $3  }
0xc0: {  	[dreg:$0x1] =	wrdreg $0xFFFFFFFF  }
0xc1: {  	_ =	task.clear_ibuf [dreg:s6], $0x2FFFF;
	_ =	strace $0x9FFFFFFF  }
0xc2: {  	(tm) =	ssettm $0x7FFFFFFF  }
0xc3: {  	_ =	shalt  }
tec
execute0_lowered:
.L_overlay_start_1:
0x0: {  	(tag) =	ssettag $0x1  }
0x1: {  	s0 =	rddreg [dreg:$0x0]  }
0x2: {  	s2 =	rddreg [dreg:$0x1]  }
0x3: {  	s3 =	simm.s32 $0x0;
	s8 =	stileid.u32;
	s1 =	srdreg.scid  }
0x4: {  	s23 =	simm.s32 $0x480;
	s24 =	simm.s32 $0x1;
	s25 =	simm.s32 $0x80  }
0x5: {  	s26 =	simm.s32 $0x400;
	s28 =	simm.s32 $0x0;
	[smem:$0x7FF] =	sst s3  }
0x6: {  	s4 =	sshll.u32 s8, $0x7;
	s1 =	sand.u32 $0x1, s1;
	s6 =	sshll.u32 s8, $0xD  }
0x7: {  	s8 =	sshll.u32 s8, $0x10;
	_ =	strace $0x80000047;
	s4 =	sadd.s32 s4, s0  }
0x8: {  	s5 =	ssub.s32 $0x2, s1;
	s0 =	sadd.s32 s6, s0;
	s30 =	sadd.s32 s8, s2  }
0x9: {  	p0 =	sne.s32 s1, $0x0;
	s1 =	simm.s32 $0x380;
	s7 =	sshrl.u32 s5, $0x1  }
0xa: {  	s8 =	sadd.s32 $0x2000, s30;
	s9 =	sadd.s32 $0x3000, s30;
	s10 =	sadd.s32 $0x4000, s30  }
0xb: {  	s11 =	sadd.s32 $0x5000, s30;
	s12 =	sadd.s32 $0x6000, s30;
	s13 =	sadd.s32 $0x7000, s30  }
.Ltmp0:
0xc: {  	s14 =	sadd.s32 $0x8000, s30;
	s15 =	sadd.s32 $0x9000, s30;
	(pc) =	sbr.rel .LBB2_1-.Ltmp0, $4  }
0xd: {  	s16 =	sadd.s32 $0xA000, s30;
	s17 =	sadd.s32 $0xB000, s30;
	s18 =	sadd.s32 $0xC000, s30  }
0xe: {  	s19 =	sadd.s32 $0xD000, s30;
	s20 =	sadd.s32 $0xE000, s30;
	s21 =	sadd.s32 $0xF000, s30  }
0xf: {  	s22 =	sadd.s32 $0x2E00, s0;
	s0 =	simm.s32 $0x300;
	s31 =	ssub.s32 s5, s7  }
0x10: {  	v0 =	vimm.f32 $0.0e+00;
	v1 =	vimm.f32 $1.000000000e+00;
	s5 =	sadd.s32 $0x2600, s4;
	s7 =	sadd.s32 $0x1000, s30;
	s6 =	smax.u32 s31, $0x1  }
.LBB2_9:
0x11: {  	[bflag:$0x0] =	sbarrier.arrive $0xFFFF  }
0x12: {  	[bflag:$0x0] =	sbarrier.arrive $0xFFFF  }
.LBB2_7:
0x13: {  	s28 =	sadd.s32 $0x1, s28  }
0x14: {  	p1 =	sne.s32 s28, s6  }
.Ltmp1:
0x15: {  	_ = 	snop;
	(pc) =	sbr.rel @!p1 .LBB2_8-.Ltmp1, $1  }
0x16: {  	_ =	sdelay $0x3  }
.LBB2_1:
.Ltmp2:
0x17: {  	(pc) =	sbr.rel @p0 .LBB2_9-.Ltmp2, $1  }
0x18: {  	_ =	sdelay $0x3  }
0x19: {  	s4 =	simm.s32 $0x40;
	s29 =	simm.s32 $0x0  }
.LBB2_3:
0x1a: {  	p1 =	sne.s32 s4, $0x3FC0;
	[tilespmem:s29+$0x480] =	vst v0;
	s29 =	smov.u32 s4;
	s4 =	sadd.s32 $0x40, s4  }
.Ltmp3:
0x1b: {  	(pc) =	sbr.rel @p1 .LBB2_3-.Ltmp3, $2  }
0x1c: {  	_ =	sdelay $0x2  }
0x1d: {  	s29 =	sshra.s32 s29, $0x2  }
0x1e: {  	[tilespmem:s29+$0x480] =	vst v0  }
0x1f: {  	[tilespmem:$0x400] =	vst v1  }
0x20: {  	[tilespmem:$0x410] =	vst v1  }
0x21: {  	[tilespmem:$0x420] =	vst v1  }
0x22: {  	[tilespmem:$0x430] =	vst v1  }
0x23: {  	[tilespmem:$0x440] =	vst v1  }
0x24: {  	[tilespmem:$0x450] =	vst v1  }
0x25: {  	[tilespmem:$0x460] =	vst v1  }
0x26: {  	[tilespmem:$0x470] =	vst v1  }
0x27: {  	[spmem:s30] =	stream.linear.scatter [tilespmem:s23], [sflag:$0x1], $0x1000, $0x38;
	[tilespmem:$0x11480] =	vst v63  }
0x28: {  	_ =	swait.ge [sflag:s24], $0x1000  }
0x29: {  	[sflag:s24] =	ssyncset.done $0x0  }
0x2a: {  	[sflag:s24] =	ssyncadd.s32 $0xFFFFF000  }
0x2b: {  	[spmem:s7] =	stream.linear.scatter [tilespmem:s23], [sflag:$0x1], $0x1000, $0x38;
	[tilespmem:$0x11480] =	vst v63  }
0x2c: {  	_ =	swait.ge [sflag:s24], $0x1000  }
0x2d: {  	[sflag:s24] =	ssyncset.done $0x0  }
0x2e: {  	[sflag:s24] =	ssyncadd.s32 $0xFFFFF000  }
0x2f: {  	[spmem:s8] =	stream.linear.scatter [tilespmem:s23], [sflag:$0x1], $0x1000, $0x38;
	[tilespmem:$0x11480] =	vst v63  }
0x30: {  	_ =	swait.ge [sflag:s24], $0x1000  }
0x31: {  	[sflag:s24] =	ssyncset.done $0x0  }
0x32: {  	[sflag:s24] =	ssyncadd.s32 $0xFFFFF000  }
0x33: {  	[spmem:s9] =	stream.linear.scatter [tilespmem:s23], [sflag:$0x1], $0x1000, $0x38;
	[tilespmem:$0x11480] =	vst v63  }
0x34: {  	_ =	swait.ge [sflag:s24], $0x1000  }
0x35: {  	[sflag:s24] =	ssyncset.done $0x0  }
0x36: {  	[sflag:s24] =	ssyncadd.s32 $0xFFFFF000  }
0x37: {  	[spmem:s10] =	stream.linear.scatter [tilespmem:s23], [sflag:$0x1], $0x1000, $0x38;
	[tilespmem:$0x11480] =	vst v63  }
0x38: {  	_ =	swait.ge [sflag:s24], $0x1000  }
0x39: {  	[sflag:s24] =	ssyncset.done $0x0  }
0x3a: {  	[sflag:s24] =	ssyncadd.s32 $0xFFFFF000  }
0x3b: {  	[spmem:s11] =	stream.linear.scatter [tilespmem:s23], [sflag:$0x1], $0x1000, $0x38;
	[tilespmem:$0x11480] =	vst v63  }
0x3c: {  	_ =	swait.ge [sflag:s24], $0x1000  }
0x3d: {  	[sflag:s24] =	ssyncset.done $0x0  }
0x3e: {  	[sflag:s24] =	ssyncadd.s32 $0xFFFFF000  }
0x3f: {  	[spmem:s12] =	stream.linear.scatter [tilespmem:s23], [sflag:$0x1], $0x1000, $0x38;
	[tilespmem:$0x11480] =	vst v63  }
0x40: {  	_ =	swait.ge [sflag:s24], $0x1000  }
0x41: {  	[sflag:s24] =	ssyncset.done $0x0  }
0x42: {  	[sflag:s24] =	ssyncadd.s32 $0xFFFFF000  }
0x43: {  	[spmem:s13] =	stream.linear.scatter [tilespmem:s23], [sflag:$0x1], $0x1000, $0x38;
	[tilespmem:$0x11480] =	vst v63  }
0x44: {  	_ =	swait.ge [sflag:s24], $0x1000  }
0x45: {  	[sflag:s24] =	ssyncset.done $0x0  }
0x46: {  	[sflag:s24] =	ssyncadd.s32 $0xFFFFF000  }
0x47: {  	[spmem:s14] =	stream.linear.scatter [tilespmem:s23], [sflag:$0x1], $0x1000, $0x38;
	[tilespmem:$0x11480] =	vst v63  }
0x48: {  	_ =	swait.ge [sflag:s24], $0x1000  }
0x49: {  	[sflag:s24] =	ssyncset.done $0x0  }
0x4a: {  	[sflag:s24] =	ssyncadd.s32 $0xFFFFF000  }
0x4b: {  	[spmem:s15] =	stream.linear.scatter [tilespmem:s23], [sflag:$0x1], $0x1000, $0x38;
	[tilespmem:$0x11480] =	vst v63  }
0x4c: {  	_ =	swait.ge [sflag:s24], $0x1000  }
0x4d: {  	[sflag:s24] =	ssyncset.done $0x0  }
0x4e: {  	[sflag:s24] =	ssyncadd.s32 $0xFFFFF000  }
0x4f: {  	[spmem:s16] =	stream.linear.scatter [tilespmem:s23], [sflag:$0x1], $0x1000, $0x38;
	[tilespmem:$0x11480] =	vst v63  }
0x50: {  	_ =	swait.ge [sflag:s24], $0x1000  }
0x51: {  	[sflag:s24] =	ssyncset.done $0x0  }
0x52: {  	[sflag:s24] =	ssyncadd.s32 $0xFFFFF000  }
0x53: {  	[spmem:s17] =	stream.linear.scatter [tilespmem:s23], [sflag:$0x1], $0x1000, $0x38;
	[tilespmem:$0x11480] =	vst v63  }
0x54: {  	_ =	swait.ge [sflag:s24], $0x1000  }
0x55: {  	[sflag:s24] =	ssyncset.done $0x0  }
0x56: {  	[sflag:s24] =	ssyncadd.s32 $0xFFFFF000  }
0x57: {  	[spmem:s18] =	stream.linear.scatter [tilespmem:s23], [sflag:$0x1], $0x1000, $0x38;
	[tilespmem:$0x11480] =	vst v63  }
0x58: {  	_ =	swait.ge [sflag:s24], $0x1000  }
0x59: {  	[sflag:s24] =	ssyncset.done $0x0  }
0x5a: {  	[sflag:s24] =	ssyncadd.s32 $0xFFFFF000  }
0x5b: {  	[spmem:s19] =	stream.linear.scatter [tilespmem:s23], [sflag:$0x1], $0x1000, $0x38;
	[tilespmem:$0x11480] =	vst v63  }
0x5c: {  	_ =	swait.ge [sflag:s24], $0x1000  }
0x5d: {  	[sflag:s24] =	ssyncset.done $0x0  }
0x5e: {  	[sflag:s24] =	ssyncadd.s32 $0xFFFFF000  }
0x5f: {  	[spmem:s20] =	stream.linear.scatter [tilespmem:s23], [sflag:$0x1], $0x1000, $0x38;
	[tilespmem:$0x11480] =	vst v63  }
0x60: {  	_ =	swait.ge [sflag:s24], $0x1000  }
0x61: {  	[sflag:s24] =	ssyncset.done $0x0  }
0x62: {  	[sflag:s24] =	ssyncadd.s32 $0xFFFFF000  }
0x63: {  	[spmem:s21] =	stream.linear.scatter [tilespmem:s23], [sflag:$0x1], $0x1000, $0x38;
	[tilespmem:$0x11480] =	vst v63  }
0x64: {  	_ =	swait.ge [sflag:s24], $0x1000  }
0x65: {  	[sflag:s24] =	ssyncset.done $0x0  }
0x66: {  	s4 =	simm.s32 $0x0;
	[sflag:s24] =	ssyncadd.s32 $0xFFFFF000  }
0x67: {  	[tilespmem:s4], [sflag:$0x1] =	stream.linear.gather [hbm4b:s5+s4], $0x400, $0x38;
	[tilespmem:$0x11480] =	vst v63  }
0x68: {  	_ =	swait.ge [sflag:s24], $0x400  }
0x69: {  	[sflag:s24] =	ssyncset.done $0x0  }
0x6a: {  	[sflag:s24] =	ssyncadd.s32 $0xFFFFFC00  }
0x6b: {  	[bflag:$0x0] =	sbarrier.arrive $0xFFFF  }
0x6c: {  	[spmem:s2] =	stream.indirect.scatter.add.f32 [tilespmem:s26], [sflag:$0x1], $0x1, s4, s25, $0xb8;
	[tilespmem:$0x11480] =	vst v63  }
0x6d: {  	_ =	swait.ge [sflag:s24], $0x80  }
0x6e: {  	[sflag:s24] =	ssyncset.done $0x0  }
0x6f: {  	[sflag:s24] =	ssyncadd.s32 $0xFFFFFF80  }
0x70: {  	[spmem:s2] =	stream.indirect.scatter.add.f32 [tilespmem:s26], [sflag:$0x1], $0x1, s25, s25, $0xb8;
	[tilespmem:$0x11480] =	vst v63  }
0x71: {  	_ =	swait.ge [sflag:s24], $0x80  }
0x72: {  	[sflag:s24] =	ssyncset.done $0x0  }
0x73: {  	s31 =	simm.s32 $0x100;
	[sflag:s24] =	ssyncadd.s32 $0xFFFFFF80  }
0x74: {  	[spmem:s2] =	stream.indirect.scatter.add.f32 [tilespmem:s26], [sflag:$0x1], $0x1, s31, s25, $0xb8;
	[tilespmem:$0x11480] =	vst v63  }
0x75: {  	_ =	swait.ge [sflag:s24], $0x80  }
0x76: {  	[sflag:s24] =	ssyncset.done $0x0  }
0x77: {  	s31 =	simm.s32 $0x180;
	[sflag:s24] =	ssyncadd.s32 $0xFFFFFF80  }
0x78: {  	[spmem:s2] =	stream.indirect.scatter.add.f32 [tilespmem:s26], [sflag:$0x1], $0x1, s31, s25, $0xb8;
	[tilespmem:$0x11480] =	vst v63  }
0x79: {  	_ =	swait.ge [sflag:s24], $0x80  }
0x7a: {  	[sflag:s24] =	ssyncset.done $0x0  }
0x7b: {  	s31 =	simm.s32 $0x200;
	[sflag:s24] =	ssyncadd.s32 $0xFFFFFF80  }
0x7c: {  	[spmem:s2] =	stream.indirect.scatter.add.f32 [tilespmem:s26], [sflag:$0x1], $0x1, s31, s25, $0xb8;
	[tilespmem:$0x11480] =	vst v63  }
0x7d: {  	_ =	swait.ge [sflag:s24], $0x80  }
0x7e: {  	[sflag:s24] =	ssyncset.done $0x0  }
0x7f: {  	s31 =	simm.s32 $0x280;
	[sflag:s24] =	ssyncadd.s32 $0xFFFFFF80  }
0x80: {  	[spmem:s2] =	stream.indirect.scatter.add.f32 [tilespmem:s26], [sflag:$0x1], $0x1, s31, s25, $0xb8;
	[tilespmem:$0x11480] =	vst v63  }
0x81: {  	_ =	swait.ge [sflag:s24], $0x80  }
0x82: {  	[sflag:s24] =	ssyncset.done $0x0  }
0x83: {  	[sflag:s24] =	ssyncadd.s32 $0xFFFFFF80  }
0x84: {  	[spmem:s2] =	stream.indirect.scatter.add.f32 [tilespmem:s26], [sflag:$0x1], $0x1, s0, s25, $0xb8;
	[tilespmem:$0x11480] =	vst v63  }
0x85: {  	_ =	swait.ge [sflag:s24], $0x80  }
0x86: {  	[sflag:s24] =	ssyncset.done $0x0  }
0x87: {  	[sflag:s24] =	ssyncadd.s32 $0xFFFFFF80  }
0x88: {  	[spmem:s2] =	stream.indirect.scatter.add.f32 [tilespmem:s26], [sflag:$0x1], $0x1, s1, s25, $0xb8;
	[tilespmem:$0x11480] =	vst v63  }
0x89: {  	_ =	swait.ge [sflag:s24], $0x80  }
0x8a: {  	[sflag:s24] =	ssyncset.done $0x0  }
0x8b: {  	[sflag:s24] =	ssyncadd.s32 $0xFFFFFF80  }
0x8c: {  	[bflag:$0x0] =	sbarrier.arrive $0xFFFF  }
0x8d: {  	[tilespmem:s23], [sflag:$0x1] =	stream.linear.gather [spmem:s30], $0x1000, $0x38;
	[tilespmem:$0x11480] =	vst v63  }
0x8e: {  	_ =	swait.ge [sflag:s24], $0x1000  }
0x8f: {  	[sflag:s24] =	ssyncset.done $0x0  }
0x90: {  	s31 =	sadd.s32 $0x0, s22;
	[sflag:s24] =	ssyncadd.s32 $0xFFFFF000  }
0x91: {  	[hbm4b:s31+s3] =	stream.linear.scatter [tilespmem:s23], [sflag:$0x1], $0x1000, $0x38;
	[tilespmem:$0x11480] =	vst v63  }
0x92: {  	_ =	swait.ge [sflag:s24], $0x1000  }
0x93: {  	s29 =	simm.s32 $0x200;
	s4 =	smov.u32 s30;
	[sflag:s24] =	ssyncset.done $0x0  }
.LBB2_5:
0x94: {  	p1 =	sne.s32 s29, $0x1E00;
	[sflag:s24] =	ssyncadd.s32 $0xFFFFF000;
	s4 =	sadd.s32 $0x1000, s4  }
0x95: {  	[tilespmem:s23], [sflag:$0x1] =	stream.linear.gather [spmem:s4], $0x1000, $0x38;
	[tilespmem:$0x11480] =	vst v63  }
0x96: {  	s31 =	smov.u32 s29;
	s29 =	sadd.s32 $0x200, s29;
	_ =	swait.ge [sflag:s24], $0x1000  }
.Ltmp4:
0x97: {  	[sflag:s24] =	ssyncset.done $0x0;
	(pc) =	sbr.rel @p1 .LBB2_5-.Ltmp4, $4  }
0x98: {  	s31 =	sadd.s32 s31, s22;
	[sflag:s24] =	ssyncadd.s32 $0xFFFFF000  }
0x99: {  	[hbm4b:s31+s3] =	stream.linear.scatter [tilespmem:s23], [sflag:$0x1], $0x1000, $0x38;
	[tilespmem:$0x11480] =	vst v63  }
0x9a: {  	_ =	swait.ge [sflag:s24], $0x1000  }
0x9b: {  	[sflag:s24] =	ssyncset.done $0x0  }
.Ltmp5:
0x9c: {  	(pc) =	sbr.rel .LBB2_7-.Ltmp5, $2  }
0x9d: {  	_ =	sdelay $0x2  }
0x9e: {  	[sflag:s24] =	ssyncadd.s32 $0xFFFFF000  }
.LBB2_8:
0x9f: {  	_ =	sfence.sel $0x180000  }
0xa0: {  	[bflag:$0x0] =	sbarrier.arrive $0xFFFF  }
0xa1: {  	_ =	strace $0x90000047  }
0xa2: {  	s0 =	stileid.u32;
	[bflag:$0x2] =	sbarrier.arrive $0xFFFF  }
0xa3: {  	p0 =	sne.s32 s0, $0x0;
	s0 =	rddreg [dreg:$0x2]  }
0xa4: {  	s0 =	sadd.s32 @!p0 $0x100000, s0  }
0xa5: {  	[sflag:s0] =	ssyncadd.tile.s32 @!p0 $0x1;
	_ =	shalt  }
.Lfunc_end2:
_tile_overlayer_lowered:
.L_overlay_start_2:
0xa6: {  	(tag) =	ssettag $0x2  }
0xa7: {  	s0 =	rddreg [dreg:$0x0];
	s2 =	stileid.u32  }
0xa8: {  	s1 =	rddreg [dreg:$0x1];
	p0 =	sne.s32 s2, $0x0  }
0xa9: {  	s3 =	rddreg [dreg:$0x2];
	[bflag:$0x3] =	sbarrier.arrive $0xFFFF;
	s2 =	simm.s32 @!p0 $0x1C01  }
0xaa: {  	[timem:s3], [sflag:s2] =	dma.local @!p0 [hbm:s0], s1  }
0xab: {  	s0 =	simm.s32 @!p0 $0x1  }
0xac: {  	_ =	swait.ge @!p0 [sflag:s0], s1  }
0xad: {  	s1 =	ssub.s32 @!p0 $0x0, s1;
	[sflag:s0] =	ssyncset.done @!p0 $0x0  }
0xae: {  	[sflag:s0] =	ssyncadd.s32 @!p0 s1  }
0xaf: {  	[bflag:$0x3] =	sbarrier.arrive $0xFFFF  }
0xb0: {  	_ =	shalt  }

</sc_bundles>
